<compile_context>
chip_gen: v7x
topology: tpu7x:2x2x1
jax: 0.10.2.dev20260603
libtpu: 0.0.44.dev20260713+nightly
codegen_flags: <defaults>
</compile_context>

<pallas_src>
import functools
import math

import jax
import jax.numpy as jnp
from jax import lax
from jax.experimental import pallas as pl
from jax.experimental.pallas import tpu as pltpu
from jax.experimental.pallas import tpu_sc as plsc

N = 10000
E = 320000
NP = 10240
H = 128
CH = 128
NTILES = 32
EPT_REAL = E // NTILES
NCH = -(-EPT_REAL // CH)
EPT = NCH * CH
EPAD = EPT * NTILES
RT = NP // 16

_f32 = jnp.float32


def _sc_mesh():
    return plsc.VectorSubcoreMesh(core_axis_name="c", subcore_axis_name="s",
                                  num_cores=2, num_subcores=16)



def _sc_deg_body(dst_hbm, out_hbm, didx, cnt, sem):
    cid = lax.axis_index("c")
    sid = lax.axis_index("s")
    wid = cid * 16 + sid

    def zrow(i, c):
        cnt[pl.ds(i * 16, 16)] = jnp.zeros((16,), _f32)
        return c

    lax.fori_loop(0, NP // 16, zrow, 0)
    pltpu.sync_copy(dst_hbm.at[pl.ds(wid * EPT, EPT)], didx)
    ones = jnp.ones((16,), _f32)

    def grp(g, c):
        idx = didx[pl.ds(g * 16, 16)]
        plsc.addupdate_scatter(cnt, [idx], ones)
        return c

    lax.fori_loop(0, EPT // 16, grp, 0)
    pltpu.sync_copy(cnt, out_hbm.at[pl.ds(wid * NP, NP)])


def _sc_agg_body(g_hbm, src_hbm, dst_hbm, zero_hbm, out_hbm, sidx, didx, rows, acc, sem):
    cid = lax.axis_index("c")
    sid = lax.axis_index("s")
    wid = cid * 16 + sid
    r0 = sid * RT
    pltpu.sync_copy(zero_hbm.at[pl.ds(r0, RT)], acc.at[pl.ds(r0, RT)])
    plsc.subcore_barrier()

    def chunk(j, carry):
        off = pl.multiple_of(wid * EPT + j * CH, CH)
        pltpu.sync_copy(src_hbm.at[pl.ds(off, CH)], sidx)
        pltpu.sync_copy(dst_hbm.at[pl.ds(off, CH)], didx)
        pltpu.async_copy(g_hbm.at[sidx], rows, sem).wait()
        pltpu.sync_copy(rows, acc.at[didx], add=True)
        return carry

    lax.fori_loop(0, NCH, chunk, 0)
    plsc.subcore_barrier()
    pltpu.sync_copy(acc.at[pl.ds(r0, RT)], out_hbm.at[pl.ds(cid * NP + r0, RT)])


@functools.lru_cache(maxsize=None)
def _sc_deg_kernel():
    return pl.kernel(
        _sc_deg_body,
        out_type=jax.ShapeDtypeStruct((NTILES * NP,), _f32),
        mesh=_sc_mesh(),
        compiler_params=pltpu.CompilerParams(needs_layout_passes=False),
        scratch_types=[
            pltpu.VMEM((EPT,), jnp.int32),
            pltpu.VMEM((NP,), _f32),
            pltpu.SemaphoreType.DMA,
        ],
    )


@functools.lru_cache(maxsize=None)
def _sc_agg_kernel():
    return pl.kernel(
        _sc_agg_body,
        out_type=jax.ShapeDtypeStruct((2 * NP, H), _f32),
        mesh=_sc_mesh(),
        scratch_types=[
            pltpu.VMEM((CH,), jnp.int32),
            pltpu.VMEM((CH,), jnp.int32),
            pltpu.VMEM((CH, H), _f32),
            pltpu.VMEM_SHARED((NP, H), _f32),
            pltpu.SemaphoreType.DMA,
        ],
    )


def _sc_deg(dstp):
    return _sc_deg_kernel()(dstp)


def _sc_agg(g, srcp, dstp, z128):
    return _sc_agg_kernel()(g, srcp, dstp, z128)



def _elu(v):
    return jnp.where(v > 0, v, jnp.exp(v) - 1.0)


def _time_mlp(tt, tw1, tb1, tw2, tb2):
    half = 64
    k = -(math.log(10000.0) / (half - 1))
    io = lax.broadcasted_iota(jnp.int32, (1, half), 1).astype(_f32)
    freq = jnp.exp(io * k)
    emb = tt * freq
    temb = jnp.concatenate([jnp.sin(emb), jnp.cos(emb)], axis=-1)
    hvec = _elu(jnp.dot(temb, tw1, preferred_element_type=_f32) + tb1)
    return jnp.dot(hvec, tw2, preferred_element_type=_f32) + tb2


def _dinv_of(degt):
    return lax.rsqrt(jnp.sum(degt, axis=1, keepdims=True) + 2.0)


def _tc0_body(x_ref, qy_ref, wa_ref, wb_ref, dg_ref, g_ref):
    dinv = _dinv_of(dg_ref[...])
    hw = (jnp.dot(x_ref[...], wa_ref[...], preferred_element_type=_f32)
          + jnp.dot(qy_ref[...], wb_ref[...], preferred_element_type=_f32))
    g_ref[...] = hw * dinv


def _tc_layer_body(tt_ref, q0_ref, q1_ref, g_ref, qy_ref, dg_ref,
                   wa_ref, wb_ref, b_ref, tw1_ref, tb1_ref, tw2_ref, tb2_ref,
                   out_ref):
    dinv = _dinv_of(dg_ref[...])
    tv = _time_mlp(tt_ref[...], tw1_ref[...], tb1_ref[...], tw2_ref[...], tb2_ref[...])
    x1 = dinv * (q0_ref[...] + q1_ref[...] + 2.0 * g_ref[...]) + b_ref[...] + tv
    x1 = jnp.maximum(x1, 0.0)
    hw = (jnp.dot(x1, wa_ref[...], preferred_element_type=_f32)
          + jnp.dot(qy_ref[...], wb_ref[...], preferred_element_type=_f32))
    out_ref[...] = hw * dinv


def _tc_head_body(tt_ref, q0_ref, q1_ref, g_ref, qy_ref, dg_ref,
                  fa_ref, fb_ref, b_ref, fb1_ref, fw2_ref, fb2_ref,
                  tw1_ref, tb1_ref, tw2_ref, tb2_ref, out_ref):
    dinv = _dinv_of(dg_ref[...])
    tv = _time_mlp(tt_ref[...], tw1_ref[...], tb1_ref[...], tw2_ref[...], tb2_ref[...])
    x2 = dinv * (q0_ref[...] + q1_ref[...] + 2.0 * g_ref[...]) + b_ref[...] + tv
    x2 = jnp.maximum(x2, 0.0)
    z = _elu(jnp.dot(x2, fa_ref[...], preferred_element_type=_f32)
             + jnp.dot(qy_ref[...], fb_ref[...], preferred_element_type=_f32)
             + fb1_ref[...])
    out_ref[...] = jnp.dot(z, fw2_ref[...], preferred_element_type=_f32) + fb2_ref[...]


_R = 1024
_G = NP // _R


def _row_spec(w):
    return pl.BlockSpec((_R, w), lambda i: (i, 0))


def _full_spec(r, c):
    return pl.BlockSpec((r, c), lambda i: (0, 0))


def _tc0(xp, qyp, wa, wb, degt):
    return pl.pallas_call(
        _tc0_body,
        grid=(_G,),
        in_specs=[_row_spec(H), _row_spec(16), _full_spec(H, H), _full_spec(16, H),
                  _row_spec(NTILES)],
        out_specs=_row_spec(H),
        out_shape=jax.ShapeDtypeStruct((NP, H), _f32),
    )(xp, qyp, wa, wb, degt)


def _tc_layer(tt, q0, q1, g, qyp, degt, wa, wb, b, tw1, tb1, tw2, tb2):
    return pl.pallas_call(
        _tc_layer_body,
        grid=(_G,),
        in_specs=[_full_spec(1, 1), _row_spec(H), _row_spec(H), _row_spec(H),
                  _row_spec(16), _row_spec(NTILES),
                  _full_spec(H, H), _full_spec(16, H), _full_spec(1, H),
                  _full_spec(H, H), _full_spec(1, H), _full_spec(H, H), _full_spec(1, H)],
        out_specs=_row_spec(H),
        out_shape=jax.ShapeDtypeStruct((NP, H), _f32),
    )(tt, q0, q1, g, qyp, degt, wa, wb, b, tw1, tb1, tw2, tb2)


def _tc_head(tt, q0, q1, g, qyp, degt, fa, fb, b, fb1, fw2, fb2, tw1, tb1, tw2, tb2):
    F2 = 2 * (H + 10)
    return pl.pallas_call(
        _tc_head_body,
        grid=(_G,),
        in_specs=[_full_spec(1, 1), _row_spec(H), _row_spec(H), _row_spec(H),
                  _row_spec(16), _row_spec(NTILES),
                  _full_spec(H, F2), _full_spec(16, F2), _full_spec(1, H),
                  _full_spec(1, F2), _full_spec(F2, 10), _full_spec(1, 10),
                  _full_spec(H, H), _full_spec(1, H), _full_spec(H, H), _full_spec(1, H)],
        out_specs=_row_spec(10),
        out_shape=jax.ShapeDtypeStruct((NP, 10), _f32),
    )(tt, q0, q1, g, qyp, degt, fa, fb, b, fb1, fw2, fb2, tw1, tb1, tw2, tb2)



def kernel(x, q_Y_sample, adj, t, num_steps, W0, b0, W1, b1,
           tW1, tb1, tW2, tb2, fW1, fb1, fW2, fb2):
    src, dst = adj[0], adj[1]
    srcp = jnp.pad(src.reshape(NTILES, EPT_REAL), ((0, 0), (0, EPT - EPT_REAL)),
                   constant_values=0).reshape(-1)
    dstp = jnp.pad(dst.reshape(NTILES, EPT_REAL), ((0, 0), (0, EPT - EPT_REAL)),
                   constant_values=N).reshape(-1)

    xp = jnp.pad(x, ((0, NP - N), (0, 0)))
    qyp = jnp.pad(q_Y_sample, ((0, NP - N), (0, 6)))
    W0a, W0b = W0[:H], jnp.pad(W0[H:], ((0, 6), (0, 0)))
    W1a, W1b = W1[:H], jnp.pad(W1[H:], ((0, 6), (0, 0)))
    fW1a, fW1b = fW1[:H], jnp.pad(fW1[H:], ((0, 6), (0, 0)))
    tt = ((t / num_steps) * num_steps * 4.0).astype(_f32).reshape(1, 1)
    z128 = jnp.zeros((NP, H), _f32)

    degt = _sc_deg(dstp).reshape(NTILES, NP).T

    g0 = _tc0(xp, qyp, W0a, W0b, degt)
    qq = _sc_agg(g0, srcp, dstp, z128)
    g1 = _tc_layer(tt, qq[:NP], qq[NP:], g0, qyp, degt, W1a, W1b,
                   b0.reshape(1, -1), tW1, tb1.reshape(1, -1), tW2, tb2.reshape(1, -1))
    qq2 = _sc_agg(g1, srcp, dstp, z128)
    pred = _tc_head(tt, qq2[:NP], qq2[NP:], g1, qyp, degt, fW1a, fW1b,
                    b1.reshape(1, -1), fb1.reshape(1, -1), fW2, fb2.reshape(1, -1),
                    tW1, tb1.reshape(1, -1), tW2, tb2.reshape(1, -1))
    return pred[:N]

# --- scband reference (transcript-rebuilt; emitter-appended) ---
"""Pipeline reference for scband-denoising-model-36773509988811 (READ-ONLY COPY).

The authoritative reference and input builder live on the scoring server;
editing this copy changes nothing except your own understanding.
"""

import jax, jax.numpy as jnp
import numpy as np
import math

N = 10000
E = 320000
NFEAT = 128
NLABEL = 10
NHID = 128
FDIM = NHID + NLABEL


def setup_inputs(seed: int = 0):
    key = jax.random.key(seed)
    ks = jax.random.split(key, 16)

    def lin(k, fin, fout):
        return jax.random.normal(k, (fin, fout), dtype=jnp.float32) * (1.0 / np.sqrt(fin))

    inp = {}
    inp["x"] = jax.random.normal(ks[0], (N, NFEAT), dtype=jnp.float32)
    inp["q_Y_sample"] = jax.random.uniform(ks[1], (N, NLABEL), dtype=jnp.float32)
    inp["adj"] = jax.random.randint(ks[2], (2, E), 0, N, dtype=jnp.int32)
    inp["t"] = jax.random.uniform(ks[3], (1,), dtype=jnp.float32) * 1000.0
    inp["num_steps"] = 1000
    inp["W0"] = lin(ks[4], NFEAT + NLABEL, NHID)
    inp["b0"] = jnp.zeros((NHID,), dtype=jnp.float32)
    inp["W1"] = lin(ks[5], NHID + NLABEL, NHID)
    inp["b1"] = jnp.zeros((NHID,), dtype=jnp.float32)
    inp["tW1"] = lin(ks[6], 128, 128)
    inp["tb1"] = jnp.zeros((128,), dtype=jnp.float32)
    inp["tW2"] = lin(ks[7], 128, NHID)
    inp["tb2"] = jnp.zeros((NHID,), dtype=jnp.float32)
    inp["fW1"] = lin(ks[8], FDIM, FDIM * 2)
    inp["fb1"] = jnp.zeros((FDIM * 2,), dtype=jnp.float32)
    inp["fW2"] = lin(ks[9], FDIM * 2, NLABEL)
    inp["fb2"] = jnp.zeros((NLABEL,), dtype=jnp.float32)
    return inp


def _sinusoidal(t, num_steps, dim=128):
    half = dim // 2
    freq = jnp.exp(jnp.arange(half, dtype=jnp.float32) * (-(math.log(10000.0) / (half - 1))))
    tt = t / num_steps * num_steps * 4.0
    emb = tt[:, None] * freq[None, :]
    return jnp.concatenate([jnp.sin(emb), jnp.cos(emb)], axis=-1)


def _gcn_conv(h, src, dst, W, b):
    # PyG GCNConv with improved=True: self-loop weight 2.0, symmetric norm
    n = h.shape[0]
    e = src.shape[0]
    loop = jnp.arange(n, dtype=src.dtype)
    s = jnp.concatenate([src, loop])
    d = jnp.concatenate([dst, loop])
    ew = jnp.concatenate([jnp.ones((e,), jnp.float32), jnp.full((n,), 2.0, jnp.float32)])
    deg = jnp.zeros((n,), jnp.float32).at[d].add(ew)
    dinv = jnp.where(deg > 0, deg ** -0.5, 0.0)
    norm = dinv[s] * ew * dinv[d]
    hw = h @ W
    out = jnp.zeros((n, hw.shape[1]), hw.dtype).at[d].add(hw[s] * norm[:, None])
    return out + b


def reference(x, q_Y_sample, adj, t, num_steps, W0, b0, W1, b1, tW1, tb1, tW2, tb2, fW1, fb1, fW2, fb2):
    src, dst = adj[0], adj[1]
    temb = _sinusoidal(t, num_steps, 128)
    tv = jax.nn.elu(temb @ tW1 + tb1) @ tW2 + tb2
    h = jnp.concatenate([x, q_Y_sample], axis=-1)
    h = jax.nn.relu(_gcn_conv(h, src, dst, W0, b0) + tv)
    h = jnp.concatenate([h, q_Y_sample], axis=-1)
    h = jax.nn.relu(_gcn_conv(h, src, dst, W1, b1) + tv)
    h = jnp.concatenate([h, q_Y_sample], axis=-1)
    pred = jax.nn.elu(h @ fW1 + fb1) @ fW2 + fb2
    return pred

if __name__ == "__main__":
    import jax
    _d = setup_inputs()
    print(jax.jit(kernel)(*tuple(_d.values())))

</pallas_src>

<mosaic_0001>
#map = affine_map<(d0, d1) -> (0, 0)>
#map1 = affine_map<(d0, d1) -> (0)>
module attributes {stable_mosaic.version = 14 : i64} {
  func.func @_sc_agg_body(%arg0: i32, %arg1: i32, %arg2: memref<10240x128xf32, #tpu.memory_space<hbm>>, %arg3: memref<323584xi32, #tpu.memory_space<hbm>>, %arg4: memref<323584xi32, #tpu.memory_space<hbm>>, %arg5: memref<10240x128xf32, #tpu.memory_space<hbm>>, %arg6: memref<20480x128xf32, #tpu.memory_space<hbm>>, %arg7: memref<128xi32, #tpu.memory_space<vmem>>, %arg8: memref<128xi32, #tpu.memory_space<vmem>>, %arg9: memref<128x128xf32, #tpu.memory_space<vmem>>, %arg10: memref<10240x128xf32, #tpu.memory_space<vmem_shared>>, %arg11: memref<!tpu.dma_semaphore, #tpu.memory_space<semaphore_mem>>) attributes {dimension_semantics = [#tpu.dimension_semantics<core_parallel>, #tpu.dimension_semantics<subcore_parallel>], iteration_bounds = array<i64: 2, 16>, scalar_prefetch = 0 : i64, scratch_operands = 5 : i64, tpu.core_type = #tpu.core_type<sc_vector_subcore>, window_params = [{transform_indices = #map}, {transform_indices = #map1}, {transform_indices = #map1}, {transform_indices = #map}, {transform_indices = #map}]} {
    %mul3A = arith.constant 16 : i32
    %mul3A_0 = arith.muli %arg0, %mul3A : i32
    %add3A = arith.addi %mul3A_0, %arg1 : i32
    %mul3A_1 = arith.constant 640 : i32
    %mul3A_2 = arith.muli %arg1, %mul3A_1 : i32
    "tpu.region"() ({
      %run_scoped3A = tpu.sem_alloc : memref<!tpu.dma_semaphore, #tpu.memory_space<semaphore_mem>>
      %dma_start3A = arith.constant 0 : i32
      %dma_start3A_12 = tpu.memref_slice %arg10[%mul3A_2, %dma_start3A] : memref<10240x128xf32, #tpu.memory_space<vmem_shared>> -> memref<640x128xf32, #tpu.memory_space<vmem_shared>>
      %dma_start3A_13 = arith.constant 0 : i32
      %dma_start3A_14 = tpu.memref_slice %arg5[%mul3A_2, %dma_start3A_13] : memref<10240x128xf32, #tpu.memory_space<hbm>> -> memref<640x128xf32, #tpu.memory_space<hbm>>
      tpu.enqueue_dma source(%dma_start3A_14 : memref<640x128xf32, #tpu.memory_space<hbm>>) target(%dma_start3A_12 : memref<640x128xf32, #tpu.memory_space<vmem_shared>>) target_semaphore(%run_scoped3A : memref<!tpu.dma_semaphore, #tpu.memory_space<semaphore_mem>>)
      %dma_wait3A = arith.constant 0 : i32
      %dma_wait3A_15 = tpu.memref_slice %arg10[%mul3A_2, %dma_wait3A] : memref<10240x128xf32, #tpu.memory_space<vmem_shared>> -> memref<640x128xf32, #tpu.memory_space<vmem_shared>>
      %dma_wait3A_16 = arith.constant 0 : i32
      %dma_wait3A_17 = tpu.memref_slice %arg5[%mul3A_2, %dma_wait3A_16] : memref<10240x128xf32, #tpu.memory_space<hbm>> -> memref<640x128xf32, #tpu.memory_space<hbm>>
      tpu.wait_dma2 semaphore(%run_scoped3A : memref<!tpu.dma_semaphore, #tpu.memory_space<semaphore_mem>>) src(%dma_wait3A_17 : memref<640x128xf32, #tpu.memory_space<hbm>>) dst(%dma_wait3A_15 : memref<640x128xf32, #tpu.memory_space<vmem_shared>>)
      tpu.yield
    }) : () -> ()
    %barrier3A = arith.constant 0 : index
    tpu.barrier barrier_id(%barrier3A)
    %scan3A = arith.constant 0 : i32
    %scan3A_3 = arith.constant 0 : i32
    %scan3A_4 = arith.constant 79 : i32
    %scan3A_5 = arith.addi %scan3A_3, %scan3A_4 : i32
    %scan3A_6 = arith.constant 1 : i32
    scf.for %scan3A_12 = %scan3A_3 to %scan3A_5 step %scan3A_6  : i32 {
      %mul3A_13 = arith.constant 10112 : i32
      %mul3A_14 = arith.muli %add3A, %mul3A_13 : i32
      %mul3A_15 = arith.constant 128 : i32
      %mul3A_16 = arith.muli %scan3A_12, %mul3A_15 : i32
      %add3A_17 = arith.addi %mul3A_14, %mul3A_16 : i32
      %multiple_of3A = tpu.assume_multiple %add3A_17, 128 : i32
      "tpu.region"() ({
        %run_scoped3A = tpu.sem_alloc : memref<!tpu.dma_semaphore, #tpu.memory_space<semaphore_mem>>
        %dma_start3A_22 = tpu.memref_slice %arg3[%multiple_of3A] : memref<323584xi32, #tpu.memory_space<hbm>> -> memref<128xi32, #tpu.memory_space<hbm>>
        %dma_start3A_23 = tpu.memref_slice %arg3[%multiple_of3A] : memref<323584xi32, #tpu.memory_space<hbm>> -> memref<128xi32, #tpu.memory_space<hbm>>
        tpu.enqueue_dma source(%dma_start3A_23 : memref<128xi32, #tpu.memory_space<hbm>>) target(%arg7 : memref<128xi32, #tpu.memory_space<vmem>>) target_semaphore(%run_scoped3A : memref<!tpu.dma_semaphore, #tpu.memory_space<semaphore_mem>>)
        %dma_wait3A_24 = tpu.memref_slice %arg3[%multiple_of3A] : memref<323584xi32, #tpu.memory_space<hbm>> -> memref<128xi32, #tpu.memory_space<hbm>>
        %dma_wait3A_25 = tpu.memref_slice %arg3[%multiple_of3A] : memref<323584xi32, #tpu.memory_space<hbm>> -> memref<128xi32, #tpu.memory_space<hbm>>
        tpu.wait_dma2 semaphore(%run_scoped3A : memref<!tpu.dma_semaphore, #tpu.memory_space<semaphore_mem>>) src(%dma_wait3A_25 : memref<128xi32, #tpu.memory_space<hbm>>) dst(%arg7 : memref<128xi32, #tpu.memory_space<vmem>>)
        tpu.yield
      }) : () -> ()
      "tpu.region"() ({
        %run_scoped3A = tpu.sem_alloc : memref<!tpu.dma_semaphore, #tpu.memory_space<semaphore_mem>>
        %dma_start3A_22 = tpu.memref_slice %arg4[%multiple_of3A] : memref<323584xi32, #tpu.memory_space<hbm>> -> memref<128xi32, #tpu.memory_space<hbm>>
        %dma_start3A_23 = tpu.memref_slice %arg4[%multiple_of3A] : memref<323584xi32, #tpu.memory_space<hbm>> -> memref<128xi32, #tpu.memory_space<hbm>>
        tpu.enqueue_dma source(%dma_start3A_23 : memref<128xi32, #tpu.memory_space<hbm>>) target(%arg8 : memref<128xi32, #tpu.memory_space<vmem>>) target_semaphore(%run_scoped3A : memref<!tpu.dma_semaphore, #tpu.memory_space<semaphore_mem>>)
        %dma_wait3A_24 = tpu.memref_slice %arg4[%multiple_of3A] : memref<323584xi32, #tpu.memory_space<hbm>> -> memref<128xi32, #tpu.memory_space<hbm>>
        %dma_wait3A_25 = tpu.memref_slice %arg4[%multiple_of3A] : memref<323584xi32, #tpu.memory_space<hbm>> -> memref<128xi32, #tpu.memory_space<hbm>>
        tpu.wait_dma2 semaphore(%run_scoped3A : memref<!tpu.dma_semaphore, #tpu.memory_space<semaphore_mem>>) src(%dma_wait3A_25 : memref<128xi32, #tpu.memory_space<hbm>>) dst(%arg8 : memref<128xi32, #tpu.memory_space<vmem>>)
        tpu.yield
      }) : () -> ()
      %dma_start3A = arith.constant 0 : i32
      %dma_start3A_18 = arith.constant 0 : i32
      %dma_start3A_19 = tpu.memref_slice %arg2[%dma_start3A, %dma_start3A_18] : memref<10240x128xf32, #tpu.memory_space<hbm>> -> memref<10240x128xf32, #tpu.memory_space<hbm>>
      tpu.enqueue_indirect_dma source(%dma_start3A_19 : memref<10240x128xf32, #tpu.memory_space<hbm>>) target(%arg9 : memref<128x128xf32, #tpu.memory_space<vmem>>) offsets(%arg7 : memref<128xi32, #tpu.memory_space<vmem>>) semaphore(%arg11 : memref<!tpu.dma_semaphore, #tpu.memory_space<semaphore_mem>>)
      %dma_wait3A = arith.constant 0 : i32
      %dma_wait3A_20 = arith.constant 0 : i32
      %dma_wait3A_21 = tpu.memref_slice %arg2[%dma_wait3A, %dma_wait3A_20] : memref<10240x128xf32, #tpu.memory_space<hbm>> -> memref<10240x128xf32, #tpu.memory_space<hbm>>
      tpu.wait_indirect_dma semaphore(%arg11 : memref<!tpu.dma_semaphore, #tpu.memory_space<semaphore_mem>>) src(%dma_wait3A_21 : memref<10240x128xf32, #tpu.memory_space<hbm>>) dst(%arg9 : memref<128x128xf32, #tpu.memory_space<vmem>>)
      "tpu.region"() ({
        %run_scoped3A = tpu.sem_alloc : memref<!tpu.dma_semaphore, #tpu.memory_space<semaphore_mem>>
        %dma_start3A_22 = arith.constant 0 : i32
        %dma_start3A_23 = arith.constant 0 : i32
        %dma_start3A_24 = tpu.memref_slice %arg10[%dma_start3A_22, %dma_start3A_23] : memref<10240x128xf32, #tpu.memory_space<vmem_shared>> -> memref<10240x128xf32, #tpu.memory_space<vmem_shared>>
        tpu.enqueue_indirect_dma source(%arg9 : memref<128x128xf32, #tpu.memory_space<vmem>>) target(%dma_start3A_24 : memref<10240x128xf32, #tpu.memory_space<vmem_shared>>) offsets(%arg8 : memref<128xi32, #tpu.memory_space<vmem>>) semaphore(%run_scoped3A : memref<!tpu.dma_semaphore, #tpu.memory_space<semaphore_mem>>) {add = true}
        %dma_wait3A_25 = arith.constant 0 : i32
        %dma_wait3A_26 = arith.constant 0 : i32
        %dma_wait3A_27 = tpu.memref_slice %arg10[%dma_wait3A_25, %dma_wait3A_26] : memref<10240x128xf32, #tpu.memory_space<vmem_shared>> -> memref<10240x128xf32, #tpu.memory_space<vmem_shared>>
        tpu.wait_indirect_dma semaphore(%run_scoped3A : memref<!tpu.dma_semaphore, #tpu.memory_space<semaphore_mem>>) src(%arg9 : memref<128x128xf32, #tpu.memory_space<vmem>>) dst(%dma_wait3A_27 : memref<10240x128xf32, #tpu.memory_space<vmem_shared>>)
        tpu.yield
      }) : () -> ()
    }
    %scan3A_7 = arith.constant 79 : i32
    %barrier3A_8 = arith.constant 0 : index
    tpu.barrier barrier_id(%barrier3A_8)
    %mul3A_9 = arith.constant 10240 : i32
    %mul3A_10 = arith.muli %arg0, %mul3A_9 : i32
    %add3A_11 = arith.addi %mul3A_10, %mul3A_2 : i32
    "tpu.region"() ({
      %run_scoped3A = tpu.sem_alloc : memref<!tpu.dma_semaphore, #tpu.memory_space<semaphore_mem>>
      %dma_start3A = arith.constant 0 : i32
      %dma_start3A_12 = tpu.memref_slice %arg6[%add3A_11, %dma_start3A] : memref<20480x128xf32, #tpu.memory_space<hbm>> -> memref<640x128xf32, #tpu.memory_space<hbm>>
      %dma_start3A_13 = arith.constant 0 : i32
      %dma_start3A_14 = tpu.memref_slice %arg10[%mul3A_2, %dma_start3A_13] : memref<10240x128xf32, #tpu.memory_space<vmem_shared>> -> memref<640x128xf32, #tpu.memory_space<vmem_shared>>
      tpu.enqueue_dma source(%dma_start3A_14 : memref<640x128xf32, #tpu.memory_space<vmem_shared>>) target(%dma_start3A_12 : memref<640x128xf32, #tpu.memory_space<hbm>>) target_semaphore(%run_scoped3A : memref<!tpu.dma_semaphore, #tpu.memory_space<semaphore_mem>>)
      %dma_wait3A = arith.constant 0 : i32
      %dma_wait3A_15 = tpu.memref_slice %arg6[%add3A_11, %dma_wait3A] : memref<20480x128xf32, #tpu.memory_space<hbm>> -> memref<640x128xf32, #tpu.memory_space<hbm>>
      %dma_wait3A_16 = arith.constant 0 : i32
      %dma_wait3A_17 = tpu.memref_slice %arg10[%mul3A_2, %dma_wait3A_16] : memref<10240x128xf32, #tpu.memory_space<vmem_shared>> -> memref<640x128xf32, #tpu.memory_space<vmem_shared>>
      tpu.wait_dma2 semaphore(%run_scoped3A : memref<!tpu.dma_semaphore, #tpu.memory_space<semaphore_mem>>) src(%dma_wait3A_17 : memref<640x128xf32, #tpu.memory_space<vmem_shared>>) dst(%dma_wait3A_15 : memref<640x128xf32, #tpu.memory_space<hbm>>)
      tpu.yield
    }) : () -> ()
    return
  }
}

#map = affine_map<(d0, d1) -> (0, 0)>
#map1 = affine_map<(d0, d1) -> (0)>
module attributes {stable_mosaic.version = 14 : i64} {
  func.func @_sc_agg_body(%arg0: i32, %arg1: i32, %arg2: memref<10240x128xf32, #tpu.memory_space<hbm>>, %arg3: memref<323584xi32, #tpu.memory_space<hbm>>, %arg4: memref<323584xi32, #tpu.memory_space<hbm>>, %arg5: memref<10240x128xf32, #tpu.memory_space<hbm>>, %arg6: memref<20480x128xf32, #tpu.memory_space<hbm>>, %arg7: memref<128xi32, #tpu.memory_space<vmem>>, %arg8: memref<128xi32, #tpu.memory_space<vmem>>, %arg9: memref<128x128xf32, #tpu.memory_space<vmem>>, %arg10: memref<10240x128xf32, #tpu.memory_space<vmem_shared>>, %arg11: memref<!tpu.dma_semaphore, #tpu.memory_space<semaphore_mem>>) attributes {dimension_semantics = [#tpu.dimension_semantics<core_parallel>, #tpu.dimension_semantics<subcore_parallel>], iteration_bounds = array<i64: 2, 16>, scalar_prefetch = 0 : i64, scratch_operands = 5 : i64, tpu.core_type = #tpu.core_type<sc_vector_subcore>, window_params = [{transform_indices = #map}, {transform_indices = #map1}, {transform_indices = #map1}, {transform_indices = #map}, {transform_indices = #map}]} {
    %mul3A = arith.constant 16 : i32
    %mul3A_0 = arith.muli %arg0, %mul3A : i32
    %add3A = arith.addi %mul3A_0, %arg1 : i32
    %mul3A_1 = arith.constant 640 : i32
    %mul3A_2 = arith.muli %arg1, %mul3A_1 : i32
    "tpu.region"() ({
      %run_scoped3A = tpu.sem_alloc : memref<!tpu.dma_semaphore, #tpu.memory_space<semaphore_mem>>
      %dma_start3A = arith.constant 0 : i32
      %dma_start3A_12 = tpu.memref_slice %arg10[%mul3A_2, %dma_start3A] : memref<10240x128xf32, #tpu.memory_space<vmem_shared>> -> memref<640x128xf32, #tpu.memory_space<vmem_shared>>
      %dma_start3A_13 = arith.constant 0 : i32
      %dma_start3A_14 = tpu.memref_slice %arg5[%mul3A_2, %dma_start3A_13] : memref<10240x128xf32, #tpu.memory_space<hbm>> -> memref<640x128xf32, #tpu.memory_space<hbm>>
      tpu.enqueue_dma source(%dma_start3A_14 : memref<640x128xf32, #tpu.memory_space<hbm>>) target(%dma_start3A_12 : memref<640x128xf32, #tpu.memory_space<vmem_shared>>) target_semaphore(%run_scoped3A : memref<!tpu.dma_semaphore, #tpu.memory_space<semaphore_mem>>)
      %dma_wait3A = arith.constant 0 : i32
      %dma_wait3A_15 = tpu.memref_slice %arg10[%mul3A_2, %dma_wait3A] : memref<10240x128xf32, #tpu.memory_space<vmem_shared>> -> memref<640x128xf32, #tpu.memory_space<vmem_shared>>
      %dma_wait3A_16 = arith.constant 0 : i32
      %dma_wait3A_17 = tpu.memref_slice %arg5[%mul3A_2, %dma_wait3A_16] : memref<10240x128xf32, #tpu.memory_space<hbm>> -> memref<640x128xf32, #tpu.memory_space<hbm>>
      tpu.wait_dma2 semaphore(%run_scoped3A : memref<!tpu.dma_semaphore, #tpu.memory_space<semaphore_mem>>) src(%dma_wait3A_17 : memref<640x128xf32, #tpu.memory_space<hbm>>) dst(%dma_wait3A_15 : memref<640x128xf32, #tpu.memory_space<vmem_shared>>)
      tpu.yield
    }) : () -> ()
    %barrier3A = arith.constant 0 : index
    tpu.barrier barrier_id(%barrier3A)
    %scan3A = arith.constant 0 : i32
    %scan3A_3 = arith.constant 0 : i32
    %scan3A_4 = arith.constant 79 : i32
    %scan3A_5 = arith.addi %scan3A_3, %scan3A_4 : i32
    %scan3A_6 = arith.constant 1 : i32
    scf.for %scan3A_12 = %scan3A_3 to %scan3A_5 step %scan3A_6  : i32 {
      %mul3A_13 = arith.constant 10112 : i32
      %mul3A_14 = arith.muli %add3A, %mul3A_13 : i32
      %mul3A_15 = arith.constant 128 : i32
      %mul3A_16 = arith.muli %scan3A_12, %mul3A_15 : i32
      %add3A_17 = arith.addi %mul3A_14, %mul3A_16 : i32
      %multiple_of3A = tpu.assume_multiple %add3A_17, 128 : i32
      "tpu.region"() ({
        %run_scoped3A = tpu.sem_alloc : memref<!tpu.dma_semaphore, #tpu.memory_space<semaphore_mem>>
        %dma_start3A_22 = tpu.memref_slice %arg3[%multiple_of3A] : memref<323584xi32, #tpu.memory_space<hbm>> -> memref<128xi32, #tpu.memory_space<hbm>>
        %dma_start3A_23 = tpu.memref_slice %arg3[%multiple_of3A] : memref<323584xi32, #tpu.memory_space<hbm>> -> memref<128xi32, #tpu.memory_space<hbm>>
        tpu.enqueue_dma source(%dma_start3A_23 : memref<128xi32, #tpu.memory_space<hbm>>) target(%arg7 : memref<128xi32, #tpu.memory_space<vmem>>) target_semaphore(%run_scoped3A : memref<!tpu.dma_semaphore, #tpu.memory_space<semaphore_mem>>)
        %dma_wait3A_24 = tpu.memref_slice %arg3[%multiple_of3A] : memref<323584xi32, #tpu.memory_space<hbm>> -> memref<128xi32, #tpu.memory_space<hbm>>
        %dma_wait3A_25 = tpu.memref_slice %arg3[%multiple_of3A] : memref<323584xi32, #tpu.memory_space<hbm>> -> memref<128xi32, #tpu.memory_space<hbm>>
        tpu.wait_dma2 semaphore(%run_scoped3A : memref<!tpu.dma_semaphore, #tpu.memory_space<semaphore_mem>>) src(%dma_wait3A_25 : memref<128xi32, #tpu.memory_space<hbm>>) dst(%arg7 : memref<128xi32, #tpu.memory_space<vmem>>)
        tpu.yield
      }) : () -> ()
      "tpu.region"() ({
        %run_scoped3A = tpu.sem_alloc : memref<!tpu.dma_semaphore, #tpu.memory_space<semaphore_mem>>
        %dma_start3A_22 = tpu.memref_slice %arg4[%multiple_of3A] : memref<323584xi32, #tpu.memory_space<hbm>> -> memref<128xi32, #tpu.memory_space<hbm>>
        %dma_start3A_23 = tpu.memref_slice %arg4[%multiple_of3A] : memref<323584xi32, #tpu.memory_space<hbm>> -> memref<128xi32, #tpu.memory_space<hbm>>
        tpu.enqueue_dma source(%dma_start3A_23 : memref<128xi32, #tpu.memory_space<hbm>>) target(%arg8 : memref<128xi32, #tpu.memory_space<vmem>>) target_semaphore(%run_scoped3A : memref<!tpu.dma_semaphore, #tpu.memory_space<semaphore_mem>>)
        %dma_wait3A_24 = tpu.memref_slice %arg4[%multiple_of3A] : memref<323584xi32, #tpu.memory_space<hbm>> -> memref<128xi32, #tpu.memory_space<hbm>>
        %dma_wait3A_25 = tpu.memref_slice %arg4[%multiple_of3A] : memref<323584xi32, #tpu.memory_space<hbm>> -> memref<128xi32, #tpu.memory_space<hbm>>
        tpu.wait_dma2 semaphore(%run_scoped3A : memref<!tpu.dma_semaphore, #tpu.memory_space<semaphore_mem>>) src(%dma_wait3A_25 : memref<128xi32, #tpu.memory_space<hbm>>) dst(%arg8 : memref<128xi32, #tpu.memory_space<vmem>>)
        tpu.yield
      }) : () -> ()
      %dma_start3A = arith.constant 0 : i32
      %dma_start3A_18 = arith.constant 0 : i32
      %dma_start3A_19 = tpu.memref_slice %arg2[%dma_start3A, %dma_start3A_18] : memref<10240x128xf32, #tpu.memory_space<hbm>> -> memref<10240x128xf32, #tpu.memory_space<hbm>>
      tpu.enqueue_indirect_dma source(%dma_start3A_19 : memref<10240x128xf32, #tpu.memory_space<hbm>>) target(%arg9 : memref<128x128xf32, #tpu.memory_space<vmem>>) offsets(%arg7 : memref<128xi32, #tpu.memory_space<vmem>>) semaphore(%arg11 : memref<!tpu.dma_semaphore, #tpu.memory_space<semaphore_mem>>)
      %dma_wait3A = arith.constant 0 : i32
      %dma_wait3A_20 = arith.constant 0 : i32
      %dma_wait3A_21 = tpu.memref_slice %arg2[%dma_wait3A, %dma_wait3A_20] : memref<10240x128xf32, #tpu.memory_space<hbm>> -> memref<10240x128xf32, #tpu.memory_space<hbm>>
      tpu.wait_indirect_dma semaphore(%arg11 : memref<!tpu.dma_semaphore, #tpu.memory_space<semaphore_mem>>) src(%dma_wait3A_21 : memref<10240x128xf32, #tpu.memory_space<hbm>>) dst(%arg9 : memref<128x128xf32, #tpu.memory_space<vmem>>)
      "tpu.region"() ({
        %run_scoped3A = tpu.sem_alloc : memref<!tpu.dma_semaphore, #tpu.memory_space<semaphore_mem>>
        %dma_start3A_22 = arith.constant 0 : i32
        %dma_start3A_23 = arith.constant 0 : i32
        %dma_start3A_24 = tpu.memref_slice %arg10[%dma_start3A_22, %dma_start3A_23] : memref<10240x128xf32, #tpu.memory_space<vmem_shared>> -> memref<10240x128xf32, #tpu.memory_space<vmem_shared>>
        tpu.enqueue_indirect_dma source(%arg9 : memref<128x128xf32, #tpu.memory_space<vmem>>) target(%dma_start3A_24 : memref<10240x128xf32, #tpu.memory_space<vmem_shared>>) offsets(%arg8 : memref<128xi32, #tpu.memory_space<vmem>>) semaphore(%run_scoped3A : memref<!tpu.dma_semaphore, #tpu.memory_space<semaphore_mem>>) {add = true}
        %dma_wait3A_25 = arith.constant 0 : i32
        %dma_wait3A_26 = arith.constant 0 : i32
        %dma_wait3A_27 = tpu.memref_slice %arg10[%dma_wait3A_25, %dma_wait3A_26] : memref<10240x128xf32, #tpu.memory_space<vmem_shared>> -> memref<10240x128xf32, #tpu.memory_space<vmem_shared>>
        tpu.wait_indirect_dma semaphore(%run_scoped3A : memref<!tpu.dma_semaphore, #tpu.memory_space<semaphore_mem>>) src(%arg9 : memref<128x128xf32, #tpu.memory_space<vmem>>) dst(%dma_wait3A_27 : memref<10240x128xf32, #tpu.memory_space<vmem_shared>>)
        tpu.yield
      }) : () -> ()
    }
    %scan3A_7 = arith.constant 79 : i32
    %barrier3A_8 = arith.constant 0 : index
    tpu.barrier barrier_id(%barrier3A_8)
    %mul3A_9 = arith.constant 10240 : i32
    %mul3A_10 = arith.muli %arg0, %mul3A_9 : i32
    %add3A_11 = arith.addi %mul3A_10, %mul3A_2 : i32
    "tpu.region"() ({
      %run_scoped3A = tpu.sem_alloc : memref<!tpu.dma_semaphore, #tpu.memory_space<semaphore_mem>>
      %dma_start3A = arith.constant 0 : i32
      %dma_start3A_12 = tpu.memref_slice %arg6[%add3A_11, %dma_start3A] : memref<20480x128xf32, #tpu.memory_space<hbm>> -> memref<640x128xf32, #tpu.memory_space<hbm>>
      %dma_start3A_13 = arith.constant 0 : i32
      %dma_start3A_14 = tpu.memref_slice %arg10[%mul3A_2, %dma_start3A_13] : memref<10240x128xf32, #tpu.memory_space<vmem_shared>> -> memref<640x128xf32, #tpu.memory_space<vmem_shared>>
      tpu.enqueue_dma source(%dma_start3A_14 : memref<640x128xf32, #tpu.memory_space<vmem_shared>>) target(%dma_start3A_12 : memref<640x128xf32, #tpu.memory_space<hbm>>) target_semaphore(%run_scoped3A : memref<!tpu.dma_semaphore, #tpu.memory_space<semaphore_mem>>)
      %dma_wait3A = arith.constant 0 : i32
      %dma_wait3A_15 = tpu.memref_slice %arg6[%add3A_11, %dma_wait3A] : memref<20480x128xf32, #tpu.memory_space<hbm>> -> memref<640x128xf32, #tpu.memory_space<hbm>>
      %dma_wait3A_16 = arith.constant 0 : i32
      %dma_wait3A_17 = tpu.memref_slice %arg10[%mul3A_2, %dma_wait3A_16] : memref<10240x128xf32, #tpu.memory_space<vmem_shared>> -> memref<640x128xf32, #tpu.memory_space<vmem_shared>>
      tpu.wait_dma2 semaphore(%run_scoped3A : memref<!tpu.dma_semaphore, #tpu.memory_space<semaphore_mem>>) src(%dma_wait3A_17 : memref<640x128xf32, #tpu.memory_space<vmem_shared>>) dst(%dma_wait3A_15 : memref<640x128xf32, #tpu.memory_space<hbm>>)
      tpu.yield
    }) : () -> ()
    return
  }
}

#map = affine_map<(d0, d1) -> (0)>
module attributes {stable_mosaic.version = 14 : i64} {
  func.func @_sc_deg_body(%arg0: i32, %arg1: i32, %arg2: memref<323584xi32, #tpu.memory_space<hbm>>, %arg3: memref<327680xf32, #tpu.memory_space<hbm>>, %arg4: memref<10112xi32, #tpu.memory_space<vmem>>, %arg5: memref<10240xf32, #tpu.memory_space<vmem>>, %arg6: memref<!tpu.dma_semaphore, #tpu.memory_space<semaphore_mem>>) attributes {dimension_semantics = [#tpu.dimension_semantics<core_parallel>, #tpu.dimension_semantics<subcore_parallel>], iteration_bounds = array<i64: 2, 16>, scalar_prefetch = 0 : i64, scratch_operands = 3 : i64, tpu.core_type = #tpu.core_type<sc_vector_subcore>, window_params = [{transform_indices = #map}, {transform_indices = #map}]} {
    %mul3A = arith.constant 16 : i32
    %mul3A_0 = arith.muli %arg0, %mul3A : i32
    %add3A = arith.addi %mul3A_0, %arg1 : i32
    %scan3A = arith.constant 0 : i32
    %scan3A_1 = arith.constant 0 : i32
    %scan3A_2 = arith.constant 640 : i32
    %scan3A_3 = arith.addi %scan3A_1, %scan3A_2 : i32
    %scan3A_4 = arith.constant 1 : i32
    scf.for %scan3A_17 = %scan3A_1 to %scan3A_3 step %scan3A_4  : i32 {
      %broadcast_in_dim3A_18 = arith.constant 0.000000e+00 : f32
      %broadcast_in_dim3A_19 = vector.broadcast %broadcast_in_dim3A_18 : f32 to vector<16xf32>
      %mul3A_20 = arith.constant 16 : i32
      %mul3A_21 = arith.muli %scan3A_17, %mul3A_20 : i32
      %swap3A = arith.index_cast %mul3A_21 : i32 to index
      %swap3A_22 = tpu.vector_load %arg5[%swap3A] {strides = array<i32>} : memref<10240xf32, #tpu.memory_space<vmem>>, vector<16xf32>,
      tpu.vector_store %arg5[%swap3A], %broadcast_in_dim3A_19 {strides = array<i32>} : memref<10240xf32, #tpu.memory_space<vmem>>, vector<16xf32>,
    }
    %scan3A_5 = arith.constant 640 : i32
    %mul3A_6 = arith.constant 10112 : i32
    %mul3A_7 = arith.muli %add3A, %mul3A_6 : i32
    "tpu.region"() ({
      %run_scoped3A = tpu.sem_alloc : memref<!tpu.dma_semaphore, #tpu.memory_space<semaphore_mem>>
      %dma_start3A = tpu.memref_slice %arg2[%mul3A_7] : memref<323584xi32, #tpu.memory_space<hbm>> -> memref<10112xi32, #tpu.memory_space<hbm>>
      %dma_start3A_17 = tpu.memref_slice %arg2[%mul3A_7] : memref<323584xi32, #tpu.memory_space<hbm>> -> memref<10112xi32, #tpu.memory_space<hbm>>
      tpu.enqueue_dma source(%dma_start3A_17 : memref<10112xi32, #tpu.memory_space<hbm>>) target(%arg4 : memref<10112xi32, #tpu.memory_space<vmem>>) target_semaphore(%run_scoped3A : memref<!tpu.dma_semaphore, #tpu.memory_space<semaphore_mem>>)
      %dma_wait3A = tpu.memref_slice %arg2[%mul3A_7] : memref<323584xi32, #tpu.memory_space<hbm>> -> memref<10112xi32, #tpu.memory_space<hbm>>
      %dma_wait3A_18 = tpu.memref_slice %arg2[%mul3A_7] : memref<323584xi32, #tpu.memory_space<hbm>> -> memref<10112xi32, #tpu.memory_space<hbm>>
      tpu.wait_dma2 semaphore(%run_scoped3A : memref<!tpu.dma_semaphore, #tpu.memory_space<semaphore_mem>>) src(%dma_wait3A_18 : memref<10112xi32, #tpu.memory_space<hbm>>) dst(%arg4 : memref<10112xi32, #tpu.memory_space<vmem>>)
      tpu.yield
    }) : () -> ()
    %broadcast_in_dim3A = arith.constant 1.000000e+00 : f32
    %broadcast_in_dim3A_8 = vector.broadcast %broadcast_in_dim3A : f32 to vector<16xf32>
    %scan3A_9 = arith.constant 0 : i32
    %scan3A_10 = arith.constant 0 : i32
    %scan3A_11 = arith.constant 632 : i32
    %scan3A_12 = arith.addi %scan3A_10, %scan3A_11 : i32
    %scan3A_13 = arith.constant 1 : i32
    scf.for %scan3A_17 = %scan3A_10 to %scan3A_12 step %scan3A_13  : i32 {
      %mul3A_18 = arith.constant 16 : i32
      %mul3A_19 = arith.muli %scan3A_17, %mul3A_18 : i32
      %get3A = arith.index_cast %mul3A_19 : i32 to index
      %get3A_20 = tpu.vector_load %arg4[%get3A] {strides = array<i32>} : memref<10112xi32, #tpu.memory_space<vmem>>, vector<16xi32>,
      tpu.vector_store_idx %arg5[%get3A_20], %broadcast_in_dim3A_8 {add = true} : memref<10240xf32, #tpu.memory_space<vmem>>[vector<16xi32>], vector<16xf32>,
    }
    %scan3A_14 = arith.constant 632 : i32
    %mul3A_15 = arith.constant 10240 : i32
    %mul3A_16 = arith.muli %add3A, %mul3A_15 : i32
    "tpu.region"() ({
      %run_scoped3A = tpu.sem_alloc : memref<!tpu.dma_semaphore, #tpu.memory_space<semaphore_mem>>
      %dma_start3A = tpu.memref_slice %arg3[%mul3A_16] : memref<327680xf32, #tpu.memory_space<hbm>> -> memref<10240xf32, #tpu.memory_space<hbm>>
      %dma_start3A_17 = tpu.memref_slice %arg3[%mul3A_16] : memref<327680xf32, #tpu.memory_space<hbm>> -> memref<10240xf32, #tpu.memory_space<hbm>>
      tpu.enqueue_dma source(%arg5 : memref<10240xf32, #tpu.memory_space<vmem>>) target(%dma_start3A_17 : memref<10240xf32, #tpu.memory_space<hbm>>) target_semaphore(%run_scoped3A : memref<!tpu.dma_semaphore, #tpu.memory_space<semaphore_mem>>)
      %dma_wait3A = tpu.memref_slice %arg3[%mul3A_16] : memref<327680xf32, #tpu.memory_space<hbm>> -> memref<10240xf32, #tpu.memory_space<hbm>>
      %dma_wait3A_18 = tpu.memref_slice %arg3[%mul3A_16] : memref<327680xf32, #tpu.memory_space<hbm>> -> memref<10240xf32, #tpu.memory_space<hbm>>
      tpu.wait_dma2 semaphore(%run_scoped3A : memref<!tpu.dma_semaphore, #tpu.memory_space<semaphore_mem>>) src(%arg5 : memref<10240xf32, #tpu.memory_space<vmem>>) dst(%dma_wait3A_18 : memref<10240xf32, #tpu.memory_space<hbm>>)
      tpu.yield
    }) : () -> ()
    return
  }
}

module attributes {stable_mosaic.version = 14 : i64} {
  func.func @_tc0_body(%arg0: i32, %arg1: memref<1024x128xf32, #tpu.memory_space<vmem>>, %arg2: memref<1024x16xf32, #tpu.memory_space<vmem>>, %arg3: memref<128x128xf32, #tpu.memory_space<vmem>>, %arg4: memref<16x128xf32, #tpu.memory_space<vmem>>, %arg5: memref<1024x32xf32, #tpu.memory_space<vmem>>, %arg6: memref<1024x128xf32, #tpu.memory_space<vmem>>) attributes {dimension_semantics = [#tpu.dimension_semantics<arbitrary>], iteration_bounds = array<i64: 10>, scalar_prefetch = 0 : i64, scratch_operands = 0 : i64, tpu.core_type = #tpu.core_type<tc>, window_params = [{transform_indices = @transform_0, window_bounds = array<i64: 1024, 128>}, {transform_indices = @transform_1, window_bounds = array<i64: 1024, 16>}, {pipeline_mode = #tpu.pipeline_mode<synchronous>, transform_indices = @transform_2, window_bounds = array<i64: 128, 128>}, {pipeline_mode = #tpu.pipeline_mode<synchronous>, transform_indices = @transform_3, window_bounds = array<i64: 16, 128>}, {transform_indices = @transform_4, window_bounds = array<i64: 1024, 32>}, {transform_indices = @transform_5, window_bounds = array<i64: 1024, 128>}]} {
    %get3A = arith.constant 0 : index
    %get3A_0 = arith.constant 0 : index
    %get3A_1 = vector.load %arg5[%get3A, %get3A_0] : memref<1024x32xf32, #tpu.memory_space<vmem>>, vector<1024x32xf32>
    %reduce_sum3A = arith.constant dense<0.000000e+00> : vector<1024xf32>
    %reduce_sum3A_2 = vector.multi_reduction <add>, %get3A_1, %reduce_sum3A [1] : vector<1024x32xf32> to vector<1024xf32>
    %broadcast_in_dim3A = vector.shape_cast %reduce_sum3A_2 : vector<1024xf32> to vector<1024x1xf32>
    %add3A = arith.constant 2.000000e+00 : f32
    %add3A_3 = vector.broadcast %add3A : f32 to vector<1024x1xf32>
    %add3A_4 = arith.addf %broadcast_in_dim3A, %add3A_3 : vector<1024x1xf32>
    %rsqrt3A = math.rsqrt %add3A_4 : vector<1024x1xf32>
    %get3A_5 = arith.constant 0 : index
    %get3A_6 = arith.constant 0 : index
    %get3A_7 = vector.load %arg1[%get3A_5, %get3A_6] : memref<1024x128xf32, #tpu.memory_space<vmem>>, vector<1024x128xf32>
    %get3A_8 = arith.constant 0 : index
    %get3A_9 = arith.constant 0 : index
    %get3A_10 = vector.load %arg3[%get3A_8, %get3A_9] : memref<128x128xf32, #tpu.memory_space<vmem>>, vector<128x128xf32>
    %dot_general3A = arith.constant dense<0.000000e+00> : vector<1024x128xf32>
    %dot_general3A_11 = tpu.matmul %get3A_7, %get3A_10, %dot_general3A {dimension_numbers = #tpu.dot_dimension_numbers<[1], [0], [0], [1], [0, 0, 1, 1], [], []>, transpose_lhs_hint = false} : vector<1024x128xf32>, vector<128x128xf32>, vector<1024x128xf32> -> vector<1024x128xf32>
    %get3A_12 = arith.constant 0 : index
    %get3A_13 = arith.constant 0 : index
    %get3A_14 = vector.load %arg2[%get3A_12, %get3A_13] : memref<1024x16xf32, #tpu.memory_space<vmem>>, vector<1024x16xf32>
    %get3A_15 = arith.constant 0 : index
    %get3A_16 = arith.constant 0 : index
    %get3A_17 = vector.load %arg4[%get3A_15, %get3A_16] : memref<16x128xf32, #tpu.memory_space<vmem>>, vector<16x128xf32>
    %dot_general3A_18 = arith.constant dense<0.000000e+00> : vector<1024x128xf32>
    %dot_general3A_19 = tpu.matmul %get3A_14, %get3A_17, %dot_general3A_18 {dimension_numbers = #tpu.dot_dimension_numbers<[1], [0], [0], [1], [0, 0, 1, 1], [], []>, transpose_lhs_hint = false} : vector<1024x16xf32>, vector<16x128xf32>, vector<1024x128xf32> -> vector<1024x128xf32>
    %add3A_20 = arith.addf %dot_general3A_11, %dot_general3A_19 : vector<1024x128xf32>
    %mul3A = vector.broadcast %rsqrt3A : vector<1024x1xf32> to vector<1024x128xf32>
    %mul3A_21 = arith.mulf %add3A_20, %mul3A : vector<1024x128xf32>
    %swap3A = arith.constant 0 : index
    %swap3A_22 = arith.constant 0 : index
    %swap3A_23 = vector.load %arg6[%swap3A, %swap3A_22] : memref<1024x128xf32, #tpu.memory_space<vmem>>, vector<1024x128xf32>
    tpu.vector_store %arg6[%swap3A, %swap3A_22], %mul3A_21 {strides = array<i32>} : memref<1024x128xf32, #tpu.memory_space<vmem>>, vector<1024x128xf32>,
    return
  }
  func.func @transform_0(%arg0: i32) -> (i32, i32) {
    %c0_i32 = arith.constant 0 : i32
    %c0_i32_0 = arith.constant 0 : i32
    return %arg0, %c0_i32 : i32, i32
  }
  func.func @transform_1(%arg0: i32) -> (i32, i32) {
    %c0_i32 = arith.constant 0 : i32
    %c0_i32_0 = arith.constant 0 : i32
    return %arg0, %c0_i32 : i32, i32
  }
  func.func @transform_2(%arg0: i32) -> (i32, i32) {
    %c0_i32 = arith.constant 0 : i32
    %c0_i32_0 = arith.constant 0 : i32
    %c0_i32_1 = arith.constant 0 : i32
    return %c0_i32, %c0_i32_0 : i32, i32
  }
  func.func @transform_3(%arg0: i32) -> (i32, i32) {
    %c0_i32 = arith.constant 0 : i32
    %c0_i32_0 = arith.constant 0 : i32
    %c0_i32_1 = arith.constant 0 : i32
    return %c0_i32, %c0_i32_0 : i32, i32
  }
  func.func @transform_4(%arg0: i32) -> (i32, i32) {
    %c0_i32 = arith.constant 0 : i32
    %c0_i32_0 = arith.constant 0 : i32
    return %arg0, %c0_i32 : i32, i32
  }
  func.func @transform_5(%arg0: i32) -> (i32, i32) {
    %c0_i32 = arith.constant 0 : i32
    %c0_i32_0 = arith.constant 0 : i32
    return %arg0, %c0_i32 : i32, i32
  }
}

module attributes {stable_mosaic.version = 14 : i64} {
  func.func @_tc_layer_body(%arg0: i32, %arg1: memref<1x1xf32, #tpu.memory_space<vmem>>, %arg2: memref<1024x128xf32, #tpu.memory_space<vmem>>, %arg3: memref<1024x128xf32, #tpu.memory_space<vmem>>, %arg4: memref<1024x128xf32, #tpu.memory_space<vmem>>, %arg5: memref<1024x16xf32, #tpu.memory_space<vmem>>, %arg6: memref<1024x32xf32, #tpu.memory_space<vmem>>, %arg7: memref<128x128xf32, #tpu.memory_space<vmem>>, %arg8: memref<16x128xf32, #tpu.memory_space<vmem>>, %arg9: memref<1x128xf32, #tpu.memory_space<vmem>>, %arg10: memref<128x128xf32, #tpu.memory_space<vmem>>, %arg11: memref<1x128xf32, #tpu.memory_space<vmem>>, %arg12: memref<128x128xf32, #tpu.memory_space<vmem>>, %arg13: memref<1x128xf32, #tpu.memory_space<vmem>>, %arg14: memref<1024x128xf32, #tpu.memory_space<vmem>>) attributes {dimension_semantics = [#tpu.dimension_semantics<arbitrary>], iteration_bounds = array<i64: 10>, scalar_prefetch = 0 : i64, scratch_operands = 0 : i64, tpu.core_type = #tpu.core_type<tc>, window_params = [{pipeline_mode = #tpu.pipeline_mode<synchronous>, transform_indices = @transform_0, window_bounds = array<i64: 1, 1>}, {transform_indices = @transform_1, window_bounds = array<i64: 1024, 128>}, {transform_indices = @transform_2, window_bounds = array<i64: 1024, 128>}, {transform_indices = @transform_3, window_bounds = array<i64: 1024, 128>}, {transform_indices = @transform_4, window_bounds = array<i64: 1024, 16>}, {transform_indices = @transform_5, window_bounds = array<i64: 1024, 32>}, {pipeline_mode = #tpu.pipeline_mode<synchronous>, transform_indices = @transform_6, window_bounds = array<i64: 128, 128>}, {pipeline_mode = #tpu.pipeline_mode<synchronous>, transform_indices = @transform_7, window_bounds = array<i64: 16, 128>}, {pipeline_mode = #tpu.pipeline_mode<synchronous>, transform_indices = @transform_8, window_bounds = array<i64: 1, 128>}, {pipeline_mode = #tpu.pipeline_mode<synchronous>, transform_indices = @transform_9, window_bounds = array<i64: 128, 128>}, {pipeline_mode = #tpu.pipeline_mode<synchronous>, transform_indices = @transform_10, window_bounds = array<i64: 1, 128>}, {pipeline_mode = #tpu.pipeline_mode<synchronous>, transform_indices = @transform_11, window_bounds = array<i64: 128, 128>}, {pipeline_mode = #tpu.pipeline_mode<synchronous>, transform_indices = @transform_12, window_bounds = array<i64: 1, 128>}, {transform_indices = @transform_13, window_bounds = array<i64: 1024, 128>}]} {
    %get3A = arith.constant 0 : index
    %get3A_0 = arith.constant 0 : index
    %get3A_1 = vector.load %arg6[%get3A, %get3A_0] : memref<1024x32xf32, #tpu.memory_space<vmem>>, vector<1024x32xf32>
    %reduce_sum3A = arith.constant dense<0.000000e+00> : vector<1024xf32>
    %reduce_sum3A_2 = vector.multi_reduction <add>, %get3A_1, %reduce_sum3A [1] : vector<1024x32xf32> to vector<1024xf32>
    %broadcast_in_dim3A = vector.shape_cast %reduce_sum3A_2 : vector<1024xf32> to vector<1024x1xf32>
    %add3A = arith.constant 2.000000e+00 : f32
    %add3A_3 = vector.broadcast %add3A : f32 to vector<1024x1xf32>
    %add3A_4 = arith.addf %broadcast_in_dim3A, %add3A_3 : vector<1024x1xf32>
    %rsqrt3A = math.rsqrt %add3A_4 : vector<1024x1xf32>
    %get3A_5 = arith.constant 0 : index
    %get3A_6 = arith.constant 0 : index
    %get3A_7 = vector.load %arg1[%get3A_5, %get3A_6] : memref<1x1xf32, #tpu.memory_space<vmem>>, vector<1x1xf32>
    %get3A_8 = arith.constant 0 : index
    %get3A_9 = arith.constant 0 : index
    %get3A_10 = vector.load %arg10[%get3A_8, %get3A_9] : memref<128x128xf32, #tpu.memory_space<vmem>>, vector<128x128xf32>
    %get3A_11 = arith.constant 0 : index
    %get3A_12 = arith.constant 0 : index
    %get3A_13 = vector.load %arg11[%get3A_11, %get3A_12] : memref<1x128xf32, #tpu.memory_space<vmem>>, vector<1x128xf32>
    %get3A_14 = arith.constant 0 : index
    %get3A_15 = arith.constant 0 : index
    %get3A_16 = vector.load %arg12[%get3A_14, %get3A_15] : memref<128x128xf32, #tpu.memory_space<vmem>>, vector<128x128xf32>
    %get3A_17 = arith.constant 0 : index
    %get3A_18 = arith.constant 0 : index
    %get3A_19 = vector.load %arg13[%get3A_17, %get3A_18] : memref<1x128xf32, #tpu.memory_space<vmem>>, vector<1x128xf32>
    %iota3A = tpu.iota {dimensions = array<i32: 1>} : vector<1x64xi32>
    %convert_element_type3A = arith.sitofp %iota3A : vector<1x64xi32> to vector<1x64xf32>
    %mul3A = arith.constant -0.146195874 : f32
    %mul3A_20 = vector.broadcast %mul3A : f32 to vector<1x64xf32>
    %mul3A_21 = arith.mulf %convert_element_type3A, %mul3A_20 : vector<1x64xf32>
    %exp3A = math.exp %mul3A_21 : vector<1x64xf32>
    %mul3A_22 = vector.broadcast %get3A_7 : vector<1x1xf32> to vector<1x64xf32>
    %mul3A_23 = arith.mulf %mul3A_22, %exp3A : vector<1x64xf32>
    %sin3A = math.sin %mul3A_23 : vector<1x64xf32>
    %cos3A = math.cos %mul3A_23 : vector<1x64xf32>
    %concatenate3A = tpu.concatenate %sin3A, %cos3A in 1 : vector<1x64xf32>, vector<1x64xf32> -> vector<1x128xf32>
    %dot_general3A = arith.constant dense<0.000000e+00> : vector<1x128xf32>
    %dot_general3A_24 = tpu.matmul %concatenate3A, %get3A_10, %dot_general3A {dimension_numbers = #tpu.dot_dimension_numbers<[1], [0], [0], [1], [0, 0, 1, 1], [], []>, transpose_lhs_hint = false} : vector<1x128xf32>, vector<128x128xf32>, vector<1x128xf32> -> vector<1x128xf32>
    %add3A_25 = arith.addf %dot_general3A_24, %get3A_13 : vector<1x128xf32>
    %gt3A = arith.constant 0.000000e+00 : f32
    %gt3A_26 = vector.broadcast %gt3A : f32 to vector<1x128xf32>
    %gt3A_27 = arith.cmpf ogt, %add3A_25, %gt3A_26 : vector<1x128xf32>
    %exp3A_28 = math.exp %add3A_25 : vector<1x128xf32>
    %sub3A = arith.constant 1.000000e+00 : f32
    %sub3A_29 = vector.broadcast %sub3A : f32 to vector<1x128xf32>
    %sub3A_30 = arith.subf %exp3A_28, %sub3A_29 : vector<1x128xf32>
    %select_n3A = arith.select %gt3A_27, %add3A_25, %sub3A_30 : vector<1x128xi1>, vector<1x128xf32>
    %dot_general3A_31 = arith.constant dense<0.000000e+00> : vector<1x128xf32>
    %dot_general3A_32 = tpu.matmul %select_n3A, %get3A_16, %dot_general3A_31 {dimension_numbers = #tpu.dot_dimension_numbers<[1], [0], [0], [1], [0, 0, 1, 1], [], []>, transpose_lhs_hint = false} : vector<1x128xf32>, vector<128x128xf32>, vector<1x128xf32> -> vector<1x128xf32>
    %add3A_33 = arith.addf %dot_general3A_32, %get3A_19 : vector<1x128xf32>
    %get3A_34 = arith.constant 0 : index
    %get3A_35 = arith.constant 0 : index
    %get3A_36 = vector.load %arg2[%get3A_34, %get3A_35] : memref<1024x128xf32, #tpu.memory_space<vmem>>, vector<1024x128xf32>
    %get3A_37 = arith.constant 0 : index
    %get3A_38 = arith.constant 0 : index
    %get3A_39 = vector.load %arg3[%get3A_37, %get3A_38] : memref<1024x128xf32, #tpu.memory_space<vmem>>, vector<1024x128xf32>
    %add3A_40 = arith.addf %get3A_36, %get3A_39 : vector<1024x128xf32>
    %get3A_41 = arith.constant 0 : index
    %get3A_42 = arith.constant 0 : index
    %get3A_43 = vector.load %arg4[%get3A_41, %get3A_42] : memref<1024x128xf32, #tpu.memory_space<vmem>>, vector<1024x128xf32>
    %mul3A_44 = arith.constant 2.000000e+00 : f32
    %mul3A_45 = vector.broadcast %mul3A_44 : f32 to vector<1024x128xf32>
    %mul3A_46 = arith.mulf %mul3A_45, %get3A_43 : vector<1024x128xf32>
    %add3A_47 = arith.addf %add3A_40, %mul3A_46 : vector<1024x128xf32>
    %mul3A_48 = vector.broadcast %rsqrt3A : vector<1024x1xf32> to vector<1024x128xf32>
    %mul3A_49 = arith.mulf %mul3A_48, %add3A_47 : vector<1024x128xf32>
    %get3A_50 = arith.constant 0 : index
    %get3A_51 = arith.constant 0 : index
    %get3A_52 = vector.load %arg9[%get3A_50, %get3A_51] : memref<1x128xf32, #tpu.memory_space<vmem>>, vector<1x128xf32>
    %add3A_53 = vector.broadcast %get3A_52 : vector<1x128xf32> to vector<1024x128xf32>
    %add3A_54 = arith.addf %mul3A_49, %add3A_53 : vector<1024x128xf32>
    %add3A_55 = vector.broadcast %add3A_33 : vector<1x128xf32> to vector<1024x128xf32>
    %add3A_56 = arith.addf %add3A_54, %add3A_55 : vector<1024x128xf32>
    %max3A = arith.constant 0.000000e+00 : f32
    %max3A_57 = vector.broadcast %max3A : f32 to vector<1024x128xf32>
    %max3A_58 = arith.maximumf %add3A_56, %max3A_57 : vector<1024x128xf32>
    %get3A_59 = arith.constant 0 : index
    %get3A_60 = arith.constant 0 : index
    %get3A_61 = vector.load %arg7[%get3A_59, %get3A_60] : memref<128x128xf32, #tpu.memory_space<vmem>>, vector<128x128xf32>
    %dot_general3A_62 = arith.constant dense<0.000000e+00> : vector<1024x128xf32>
    %dot_general3A_63 = tpu.matmul %max3A_58, %get3A_61, %dot_general3A_62 {dimension_numbers = #tpu.dot_dimension_numbers<[1], [0], [0], [1], [0, 0, 1, 1], [], []>, transpose_lhs_hint = false} : vector<1024x128xf32>, vector<128x128xf32>, vector<1024x128xf32> -> vector<1024x128xf32>
    %get3A_64 = arith.constant 0 : index
    %get3A_65 = arith.constant 0 : index
    %get3A_66 = vector.load %arg5[%get3A_64, %get3A_65] : memref<1024x16xf32, #tpu.memory_space<vmem>>, vector<1024x16xf32>
    %get3A_67 = arith.constant 0 : index
    %get3A_68 = arith.constant 0 : index
    %get3A_69 = vector.load %arg8[%get3A_67, %get3A_68] : memref<16x128xf32, #tpu.memory_space<vmem>>, vector<16x128xf32>
    %dot_general3A_70 = arith.constant dense<0.000000e+00> : vector<1024x128xf32>
    %dot_general3A_71 = tpu.matmul %get3A_66, %get3A_69, %dot_general3A_70 {dimension_numbers = #tpu.dot_dimension_numbers<[1], [0], [0], [1], [0, 0, 1, 1], [], []>, transpose_lhs_hint = false} : vector<1024x16xf32>, vector<16x128xf32>, vector<1024x128xf32> -> vector<1024x128xf32>
    %add3A_72 = arith.addf %dot_general3A_63, %dot_general3A_71 : vector<1024x128xf32>
    %mul3A_73 = vector.broadcast %rsqrt3A : vector<1024x1xf32> to vector<1024x128xf32>
    %mul3A_74 = arith.mulf %add3A_72, %mul3A_73 : vector<1024x128xf32>
    %swap3A = arith.constant 0 : index
    %swap3A_75 = arith.constant 0 : index
    %swap3A_76 = vector.load %arg14[%swap3A, %swap3A_75] : memref<1024x128xf32, #tpu.memory_space<vmem>>, vector<1024x128xf32>
    tpu.vector_store %arg14[%swap3A, %swap3A_75], %mul3A_74 {strides = array<i32>} : memref<1024x128xf32, #tpu.memory_space<vmem>>, vector<1024x128xf32>,
    return
  }
  func.func @transform_0(%arg0: i32) -> (i32, i32) {
    %c0_i32 = arith.constant 0 : i32
    %c0_i32_0 = arith.constant 0 : i32
    %c0_i32_1 = arith.constant 0 : i32
    return %c0_i32, %c0_i32_0 : i32, i32
  }
  func.func @transform_1(%arg0: i32) -> (i32, i32) {
    %c0_i32 = arith.constant 0 : i32
    %c0_i32_0 = arith.constant 0 : i32
    return %arg0, %c0_i32 : i32, i32
  }
  func.func @transform_2(%arg0: i32) -> (i32, i32) {
    %c0_i32 = arith.constant 0 : i32
    %c0_i32_0 = arith.constant 0 : i32
    return %arg0, %c0_i32 : i32, i32
  }
  func.func @transform_3(%arg0: i32) -> (i32, i32) {
    %c0_i32 = arith.constant 0 : i32
    %c0_i32_0 = arith.constant 0 : i32
    return %arg0, %c0_i32 : i32, i32
  }
  func.func @transform_4(%arg0: i32) -> (i32, i32) {
    %c0_i32 = arith.constant 0 : i32
    %c0_i32_0 = arith.constant 0 : i32
    return %arg0, %c0_i32 : i32, i32
  }
  func.func @transform_5(%arg0: i32) -> (i32, i32) {
    %c0_i32 = arith.constant 0 : i32
    %c0_i32_0 = arith.constant 0 : i32
    return %arg0, %c0_i32 : i32, i32
  }
  func.func @transform_6(%arg0: i32) -> (i32, i32) {
    %c0_i32 = arith.constant 0 : i32
    %c0_i32_0 = arith.constant 0 : i32
    %c0_i32_1 = arith.constant 0 : i32
    return %c0_i32, %c0_i32_0 : i32, i32
  }
  func.func @transform_7(%arg0: i32) -> (i32, i32) {
    %c0_i32 = arith.constant 0 : i32
    %c0_i32_0 = arith.constant 0 : i32
    %c0_i32_1 = arith.constant 0 : i32
    return %c0_i32, %c0_i32_0 : i32, i32
  }
  func.func @transform_8(%arg0: i32) -> (i32, i32) {
    %c0_i32 = arith.constant 0 : i32
    %c0_i32_0 = arith.constant 0 : i32
    %c0_i32_1 = arith.constant 0 : i32
    return %c0_i32, %c0_i32_0 : i32, i32
  }
  func.func @transform_9(%arg0: i32) -> (i32, i32) {
    %c0_i32 = arith.constant 0 : i32
    %c0_i32_0 = arith.constant 0 : i32
    %c0_i32_1 = arith.constant 0 : i32
    return %c0_i32, %c0_i32_0 : i32, i32
  }
  func.func @transform_10(%arg0: i32) -> (i32, i32) {
    %c0_i32 = arith.constant 0 : i32
    %c0_i32_0 = arith.constant 0 : i32
    %c0_i32_1 = arith.constant 0 : i32
    return %c0_i32, %c0_i32_0 : i32, i32
  }
  func.func @transform_11(%arg0: i32) -> (i32, i32) {
    %c0_i32 = arith.constant 0 : i32
    %c0_i32_0 = arith.constant 0 : i32
    %c0_i32_1 = arith.constant 0 : i32
    return %c0_i32, %c0_i32_0 : i32, i32
  }
  func.func @transform_12(%arg0: i32) -> (i32, i32) {
    %c0_i32 = arith.constant 0 : i32
    %c0_i32_0 = arith.constant 0 : i32
    %c0_i32_1 = arith.constant 0 : i32
    return %c0_i32, %c0_i32_0 : i32, i32
  }
  func.func @transform_13(%arg0: i32) -> (i32, i32) {
    %c0_i32 = arith.constant 0 : i32
    %c0_i32_0 = arith.constant 0 : i32
    return %arg0, %c0_i32 : i32, i32
  }
}

module attributes {stable_mosaic.version = 14 : i64} {
  func.func @_tc_head_body(%arg0: i32, %arg1: memref<1x1xf32, #tpu.memory_space<vmem>>, %arg2: memref<1024x128xf32, #tpu.memory_space<vmem>>, %arg3: memref<1024x128xf32, #tpu.memory_space<vmem>>, %arg4: memref<1024x128xf32, #tpu.memory_space<vmem>>, %arg5: memref<1024x16xf32, #tpu.memory_space<vmem>>, %arg6: memref<1024x32xf32, #tpu.memory_space<vmem>>, %arg7: memref<128x276xf32, #tpu.memory_space<vmem>>, %arg8: memref<16x276xf32, #tpu.memory_space<vmem>>, %arg9: memref<1x128xf32, #tpu.memory_space<vmem>>, %arg10: memref<1x276xf32, #tpu.memory_space<vmem>>, %arg11: memref<276x10xf32, #tpu.memory_space<vmem>>, %arg12: memref<1x10xf32, #tpu.memory_space<vmem>>, %arg13: memref<128x128xf32, #tpu.memory_space<vmem>>, %arg14: memref<1x128xf32, #tpu.memory_space<vmem>>, %arg15: memref<128x128xf32, #tpu.memory_space<vmem>>, %arg16: memref<1x128xf32, #tpu.memory_space<vmem>>, %arg17: memref<1024x10xf32, #tpu.memory_space<vmem>>) attributes {dimension_semantics = [#tpu.dimension_semantics<arbitrary>], iteration_bounds = array<i64: 10>, scalar_prefetch = 0 : i64, scratch_operands = 0 : i64, tpu.core_type = #tpu.core_type<tc>, window_params = [{pipeline_mode = #tpu.pipeline_mode<synchronous>, transform_indices = @transform_0, window_bounds = array<i64: 1, 1>}, {transform_indices = @transform_1, window_bounds = array<i64: 1024, 128>}, {transform_indices = @transform_2, window_bounds = array<i64: 1024, 128>}, {transform_indices = @transform_3, window_bounds = array<i64: 1024, 128>}, {transform_indices = @transform_4, window_bounds = array<i64: 1024, 16>}, {transform_indices = @transform_5, window_bounds = array<i64: 1024, 32>}, {pipeline_mode = #tpu.pipeline_mode<synchronous>, transform_indices = @transform_6, window_bounds = array<i64: 128, 276>}, {pipeline_mode = #tpu.pipeline_mode<synchronous>, transform_indices = @transform_7, window_bounds = array<i64: 16, 276>}, {pipeline_mode = #tpu.pipeline_mode<synchronous>, transform_indices = @transform_8, window_bounds = array<i64: 1, 128>}, {pipeline_mode = #tpu.pipeline_mode<synchronous>, transform_indices = @transform_9, window_bounds = array<i64: 1, 276>}, {pipeline_mode = #tpu.pipeline_mode<synchronous>, transform_indices = @transform_10, window_bounds = array<i64: 276, 10>}, {pipeline_mode = #tpu.pipeline_mode<synchronous>, transform_indices = @transform_11, window_bounds = array<i64: 1, 10>}, {pipeline_mode = #tpu.pipeline_mode<synchronous>, transform_indices = @transform_12, window_bounds = array<i64: 128, 128>}, {pipeline_mode = #tpu.pipeline_mode<synchronous>, transform_indices = @transform_13, window_bounds = array<i64: 1, 128>}, {pipeline_mode = #tpu.pipeline_mode<synchronous>, transform_indices = @transform_14, window_bounds = array<i64: 128, 128>}, {pipeline_mode = #tpu.pipeline_mode<synchronous>, transform_indices = @transform_15, window_bounds = array<i64: 1, 128>}, {transform_indices = @transform_16, window_bounds = array<i64: 1024, 10>}]} {
    %get3A = arith.constant 0 : index
    %get3A_0 = arith.constant 0 : index
    %get3A_1 = vector.load %arg6[%get3A, %get3A_0] : memref<1024x32xf32, #tpu.memory_space<vmem>>, vector<1024x32xf32>
    %reduce_sum3A = arith.constant dense<0.000000e+00> : vector<1024xf32>
    %reduce_sum3A_2 = vector.multi_reduction <add>, %get3A_1, %reduce_sum3A [1] : vector<1024x32xf32> to vector<1024xf32>
    %broadcast_in_dim3A = vector.shape_cast %reduce_sum3A_2 : vector<1024xf32> to vector<1024x1xf32>
    %add3A = arith.constant 2.000000e+00 : f32
    %add3A_3 = vector.broadcast %add3A : f32 to vector<1024x1xf32>
    %add3A_4 = arith.addf %broadcast_in_dim3A, %add3A_3 : vector<1024x1xf32>
    %rsqrt3A = math.rsqrt %add3A_4 : vector<1024x1xf32>
    %get3A_5 = arith.constant 0 : index
    %get3A_6 = arith.constant 0 : index
    %get3A_7 = vector.load %arg1[%get3A_5, %get3A_6] : memref<1x1xf32, #tpu.memory_space<vmem>>, vector<1x1xf32>
    %get3A_8 = arith.constant 0 : index
    %get3A_9 = arith.constant 0 : index
    %get3A_10 = vector.load %arg13[%get3A_8, %get3A_9] : memref<128x128xf32, #tpu.memory_space<vmem>>, vector<128x128xf32>
    %get3A_11 = arith.constant 0 : index
    %get3A_12 = arith.constant 0 : index
    %get3A_13 = vector.load %arg14[%get3A_11, %get3A_12] : memref<1x128xf32, #tpu.memory_space<vmem>>, vector<1x128xf32>
    %get3A_14 = arith.constant 0 : index
    %get3A_15 = arith.constant 0 : index
    %get3A_16 = vector.load %arg15[%get3A_14, %get3A_15] : memref<128x128xf32, #tpu.memory_space<vmem>>, vector<128x128xf32>
    %get3A_17 = arith.constant 0 : index
    %get3A_18 = arith.constant 0 : index
    %get3A_19 = vector.load %arg16[%get3A_17, %get3A_18] : memref<1x128xf32, #tpu.memory_space<vmem>>, vector<1x128xf32>
    %iota3A = tpu.iota {dimensions = array<i32: 1>} : vector<1x64xi32>
    %convert_element_type3A = arith.sitofp %iota3A : vector<1x64xi32> to vector<1x64xf32>
    %mul3A = arith.constant -0.146195874 : f32
    %mul3A_20 = vector.broadcast %mul3A : f32 to vector<1x64xf32>
    %mul3A_21 = arith.mulf %convert_element_type3A, %mul3A_20 : vector<1x64xf32>
    %exp3A = math.exp %mul3A_21 : vector<1x64xf32>
    %mul3A_22 = vector.broadcast %get3A_7 : vector<1x1xf32> to vector<1x64xf32>
    %mul3A_23 = arith.mulf %mul3A_22, %exp3A : vector<1x64xf32>
    %sin3A = math.sin %mul3A_23 : vector<1x64xf32>
    %cos3A = math.cos %mul3A_23 : vector<1x64xf32>
    %concatenate3A = tpu.concatenate %sin3A, %cos3A in 1 : vector<1x64xf32>, vector<1x64xf32> -> vector<1x128xf32>
    %dot_general3A = arith.constant dense<0.000000e+00> : vector<1x128xf32>
    %dot_general3A_24 = tpu.matmul %concatenate3A, %get3A_10, %dot_general3A {dimension_numbers = #tpu.dot_dimension_numbers<[1], [0], [0], [1], [0, 0, 1, 1], [], []>, transpose_lhs_hint = false} : vector<1x128xf32>, vector<128x128xf32>, vector<1x128xf32> -> vector<1x128xf32>
    %add3A_25 = arith.addf %dot_general3A_24, %get3A_13 : vector<1x128xf32>
    %gt3A = arith.constant 0.000000e+00 : f32
    %gt3A_26 = vector.broadcast %gt3A : f32 to vector<1x128xf32>
    %gt3A_27 = arith.cmpf ogt, %add3A_25, %gt3A_26 : vector<1x128xf32>
    %exp3A_28 = math.exp %add3A_25 : vector<1x128xf32>
    %sub3A = arith.constant 1.000000e+00 : f32
    %sub3A_29 = vector.broadcast %sub3A : f32 to vector<1x128xf32>
    %sub3A_30 = arith.subf %exp3A_28, %sub3A_29 : vector<1x128xf32>
    %select_n3A = arith.select %gt3A_27, %add3A_25, %sub3A_30 : vector<1x128xi1>, vector<1x128xf32>
    %dot_general3A_31 = arith.constant dense<0.000000e+00> : vector<1x128xf32>
    %dot_general3A_32 = tpu.matmul %select_n3A, %get3A_16, %dot_general3A_31 {dimension_numbers = #tpu.dot_dimension_numbers<[1], [0], [0], [1], [0, 0, 1, 1], [], []>, transpose_lhs_hint = false} : vector<1x128xf32>, vector<128x128xf32>, vector<1x128xf32> -> vector<1x128xf32>
    %add3A_33 = arith.addf %dot_general3A_32, %get3A_19 : vector<1x128xf32>
    %get3A_34 = arith.constant 0 : index
    %get3A_35 = arith.constant 0 : index
    %get3A_36 = vector.load %arg2[%get3A_34, %get3A_35] : memref<1024x128xf32, #tpu.memory_space<vmem>>, vector<1024x128xf32>
    %get3A_37 = arith.constant 0 : index
    %get3A_38 = arith.constant 0 : index
    %get3A_39 = vector.load %arg3[%get3A_37, %get3A_38] : memref<1024x128xf32, #tpu.memory_space<vmem>>, vector<1024x128xf32>
    %add3A_40 = arith.addf %get3A_36, %get3A_39 : vector<1024x128xf32>
    %get3A_41 = arith.constant 0 : index
    %get3A_42 = arith.constant 0 : index
    %get3A_43 = vector.load %arg4[%get3A_41, %get3A_42] : memref<1024x128xf32, #tpu.memory_space<vmem>>, vector<1024x128xf32>
    %mul3A_44 = arith.constant 2.000000e+00 : f32
    %mul3A_45 = vector.broadcast %mul3A_44 : f32 to vector<1024x128xf32>
    %mul3A_46 = arith.mulf %mul3A_45, %get3A_43 : vector<1024x128xf32>
    %add3A_47 = arith.addf %add3A_40, %mul3A_46 : vector<1024x128xf32>
    %mul3A_48 = vector.broadcast %rsqrt3A : vector<1024x1xf32> to vector<1024x128xf32>
    %mul3A_49 = arith.mulf %mul3A_48, %add3A_47 : vector<1024x128xf32>
    %get3A_50 = arith.constant 0 : index
    %get3A_51 = arith.constant 0 : index
    %get3A_52 = vector.load %arg9[%get3A_50, %get3A_51] : memref<1x128xf32, #tpu.memory_space<vmem>>, vector<1x128xf32>
    %add3A_53 = vector.broadcast %get3A_52 : vector<1x128xf32> to vector<1024x128xf32>
    %add3A_54 = arith.addf %mul3A_49, %add3A_53 : vector<1024x128xf32>
    %add3A_55 = vector.broadcast %add3A_33 : vector<1x128xf32> to vector<1024x128xf32>
    %add3A_56 = arith.addf %add3A_54, %add3A_55 : vector<1024x128xf32>
    %max3A = arith.constant 0.000000e+00 : f32
    %max3A_57 = vector.broadcast %max3A : f32 to vector<1024x128xf32>
    %max3A_58 = arith.maximumf %add3A_56, %max3A_57 : vector<1024x128xf32>
    %get3A_59 = arith.constant 0 : index
    %get3A_60 = arith.constant 0 : index
    %get3A_61 = vector.load %arg7[%get3A_59, %get3A_60] : memref<128x276xf32, #tpu.memory_space<vmem>>, vector<128x276xf32>
    %dot_general3A_62 = arith.constant dense<0.000000e+00> : vector<1024x276xf32>
    %dot_general3A_63 = tpu.matmul %max3A_58, %get3A_61, %dot_general3A_62 {dimension_numbers = #tpu.dot_dimension_numbers<[1], [0], [0], [1], [0, 0, 1, 1], [], []>, transpose_lhs_hint = false} : vector<1024x128xf32>, vector<128x276xf32>, vector<1024x276xf32> -> vector<1024x276xf32>
    %get3A_64 = arith.constant 0 : index
    %get3A_65 = arith.constant 0 : index
    %get3A_66 = vector.load %arg5[%get3A_64, %get3A_65] : memref<1024x16xf32, #tpu.memory_space<vmem>>, vector<1024x16xf32>
    %get3A_67 = arith.constant 0 : index
    %get3A_68 = arith.constant 0 : index
    %get3A_69 = vector.load %arg8[%get3A_67, %get3A_68] : memref<16x276xf32, #tpu.memory_space<vmem>>, vector<16x276xf32>
    %dot_general3A_70 = arith.constant dense<0.000000e+00> : vector<1024x276xf32>
    %dot_general3A_71 = tpu.matmul %get3A_66, %get3A_69, %dot_general3A_70 {dimension_numbers = #tpu.dot_dimension_numbers<[1], [0], [0], [1], [0, 0, 1, 1], [], []>, transpose_lhs_hint = false} : vector<1024x16xf32>, vector<16x276xf32>, vector<1024x276xf32> -> vector<1024x276xf32>
    %add3A_72 = arith.addf %dot_general3A_63, %dot_general3A_71 : vector<1024x276xf32>
    %get3A_73 = arith.constant 0 : index
    %get3A_74 = arith.constant 0 : index
    %get3A_75 = vector.load %arg10[%get3A_73, %get3A_74] : memref<1x276xf32, #tpu.memory_space<vmem>>, vector<1x276xf32>
    %add3A_76 = vector.broadcast %get3A_75 : vector<1x276xf32> to vector<1024x276xf32>
    %add3A_77 = arith.addf %add3A_72, %add3A_76 : vector<1024x276xf32>
    %gt3A_78 = arith.constant 0.000000e+00 : f32
    %gt3A_79 = vector.broadcast %gt3A_78 : f32 to vector<1024x276xf32>
    %gt3A_80 = arith.cmpf ogt, %add3A_77, %gt3A_79 : vector<1024x276xf32>
    %exp3A_81 = math.exp %add3A_77 : vector<1024x276xf32>
    %sub3A_82 = arith.constant 1.000000e+00 : f32
    %sub3A_83 = vector.broadcast %sub3A_82 : f32 to vector<1024x276xf32>
    %sub3A_84 = arith.subf %exp3A_81, %sub3A_83 : vector<1024x276xf32>
    %select_n3A_85 = arith.select %gt3A_80, %add3A_77, %sub3A_84 : vector<1024x276xi1>, vector<1024x276xf32>
    %get3A_86 = arith.constant 0 : index
    %get3A_87 = arith.constant 0 : index
    %get3A_88 = vector.load %arg11[%get3A_86, %get3A_87] : memref<276x10xf32, #tpu.memory_space<vmem>>, vector<276x10xf32>
    %dot_general3A_89 = arith.constant dense<0.000000e+00> : vector<1024x10xf32>
    %dot_general3A_90 = tpu.matmul %select_n3A_85, %get3A_88, %dot_general3A_89 {dimension_numbers = #tpu.dot_dimension_numbers<[1], [0], [0], [1], [0, 0, 1, 1], [], []>, transpose_lhs_hint = false} : vector<1024x276xf32>, vector<276x10xf32>, vector<1024x10xf32> -> vector<1024x10xf32>
    %get3A_91 = arith.constant 0 : index
    %get3A_92 = arith.constant 0 : index
    %get3A_93 = vector.load %arg12[%get3A_91, %get3A_92] : memref<1x10xf32, #tpu.memory_space<vmem>>, vector<1x10xf32>
    %add3A_94 = vector.broadcast %get3A_93 : vector<1x10xf32> to vector<1024x10xf32>
    %add3A_95 = arith.addf %dot_general3A_90, %add3A_94 : vector<1024x10xf32>
    %swap3A = arith.constant 0 : index
    %swap3A_96 = arith.constant 0 : index
    %swap3A_97 = vector.load %arg17[%swap3A, %swap3A_96] : memref<1024x10xf32, #tpu.memory_space<vmem>>, vector<1024x10xf32>
    tpu.vector_store %arg17[%swap3A, %swap3A_96], %add3A_95 {strides = array<i32>} : memref<1024x10xf32, #tpu.memory_space<vmem>>, vector<1024x10xf32>,
    return
  }
  func.func @transform_0(%arg0: i32) -> (i32, i32) {
    %c0_i32 = arith.constant 0 : i32
    %c0_i32_0 = arith.constant 0 : i32
    %c0_i32_1 = arith.constant 0 : i32
    return %c0_i32, %c0_i32_0 : i32, i32
  }
  func.func @transform_1(%arg0: i32) -> (i32, i32) {
    %c0_i32 = arith.constant 0 : i32
    %c0_i32_0 = arith.constant 0 : i32
    return %arg0, %c0_i32 : i32, i32
  }
  func.func @transform_2(%arg0: i32) -> (i32, i32) {
    %c0_i32 = arith.constant 0 : i32
    %c0_i32_0 = arith.constant 0 : i32
    return %arg0, %c0_i32 : i32, i32
  }
  func.func @transform_3(%arg0: i32) -> (i32, i32) {
    %c0_i32 = arith.constant 0 : i32
    %c0_i32_0 = arith.constant 0 : i32
    return %arg0, %c0_i32 : i32, i32
  }
  func.func @transform_4(%arg0: i32) -> (i32, i32) {
    %c0_i32 = arith.constant 0 : i32
    %c0_i32_0 = arith.constant 0 : i32
    return %arg0, %c0_i32 : i32, i32
  }
  func.func @transform_5(%arg0: i32) -> (i32, i32) {
    %c0_i32 = arith.constant 0 : i32
    %c0_i32_0 = arith.constant 0 : i32
    return %arg0, %c0_i32 : i32, i32
  }
  func.func @transform_6(%arg0: i32) -> (i32, i32) {
    %c0_i32 = arith.constant 0 : i32
    %c0_i32_0 = arith.constant 0 : i32
    %c0_i32_1 = arith.constant 0 : i32
    return %c0_i32, %c0_i32_0 : i32, i32
  }
  func.func @transform_7(%arg0: i32) -> (i32, i32) {
    %c0_i32 = arith.constant 0 : i32
    %c0_i32_0 = arith.constant 0 : i32
    %c0_i32_1 = arith.constant 0 : i32
    return %c0_i32, %c0_i32_0 : i32, i32
  }
  func.func @transform_8(%arg0: i32) -> (i32, i32) {
    %c0_i32 = arith.constant 0 : i32
    %c0_i32_0 = arith.constant 0 : i32
    %c0_i32_1 = arith.constant 0 : i32
    return %c0_i32, %c0_i32_0 : i32, i32
  }
  func.func @transform_9(%arg0: i32) -> (i32, i32) {
    %c0_i32 = arith.constant 0 : i32
    %c0_i32_0 = arith.constant 0 : i32
    %c0_i32_1 = arith.constant 0 : i32
    return %c0_i32, %c0_i32_0 : i32, i32
  }
  func.func @transform_10(%arg0: i32) -> (i32, i32) {
    %c0_i32 = arith.constant 0 : i32
    %c0_i32_0 = arith.constant 0 : i32
    %c0_i32_1 = arith.constant 0 : i32
    return %c0_i32, %c0_i32_0 : i32, i32
  }
  func.func @transform_11(%arg0: i32) -> (i32, i32) {
    %c0_i32 = arith.constant 0 : i32
    %c0_i32_0 = arith.constant 0 : i32
    %c0_i32_1 = arith.constant 0 : i32
    return %c0_i32, %c0_i32_0 : i32, i32
  }
  func.func @transform_12(%arg0: i32) -> (i32, i32) {
    %c0_i32 = arith.constant 0 : i32
    %c0_i32_0 = arith.constant 0 : i32
    %c0_i32_1 = arith.constant 0 : i32
    return %c0_i32, %c0_i32_0 : i32, i32
  }
  func.func @transform_13(%arg0: i32) -> (i32, i32) {
    %c0_i32 = arith.constant 0 : i32
    %c0_i32_0 = arith.constant 0 : i32
    %c0_i32_1 = arith.constant 0 : i32
    return %c0_i32, %c0_i32_0 : i32, i32
  }
  func.func @transform_14(%arg0: i32) -> (i32, i32) {
    %c0_i32 = arith.constant 0 : i32
    %c0_i32_0 = arith.constant 0 : i32
    %c0_i32_1 = arith.constant 0 : i32
    return %c0_i32, %c0_i32_0 : i32, i32
  }
  func.func @transform_15(%arg0: i32) -> (i32, i32) {
    %c0_i32 = arith.constant 0 : i32
    %c0_i32_0 = arith.constant 0 : i32
    %c0_i32_1 = arith.constant 0 : i32
    return %c0_i32, %c0_i32_0 : i32, i32
  }
  func.func @transform_16(%arg0: i32) -> (i32, i32) {
    %c0_i32 = arith.constant 0 : i32
    %c0_i32_0 = arith.constant 0 : i32
    return %arg0, %c0_i32 : i32, i32
  }
}

</mosaic_0001>

<sc_bundles>
// kernel: kernel.11.cloned.1.call-start
scs
__scs_entry_jumppad:
0x0: {  	(pc) =	sbr.rel $0x88, $3  }
0x1: {  	(tag) =	ssettag $0x0;
	lr =	simm.s32 $0x1  }
0x2: {  	[smem:$0x3F90] =	sst lr;
	_ =	strace $0xD0000000  }
0x3: {  	_ = 	snop  }
0x4: {  	_ = 	snop  }
0x5: {  	_ = 	snop  }
0x6: {  	_ = 	snop  }
0x7: {  	_ = 	snop  }
__scs_overlays_trampoline_lowered:
0x8: {  	[smem:$0x3F9F] =	sst s0  }
0x9: {  	[smem:$0x3FA0] =	sst s1  }
0xa: {  	[smem:$0x3FA1] =	sst s2  }
0xb: {  	[smem:$0x3FA2] =	sst s3  }
0xc: {  	[smem:$0x3FA3] =	sst s4  }
0xd: {  	[smem:$0x3FA4] =	sst s5  }
0xe: {  	[smem:$0x3FA5] =	sst s6  }
0xf: {  	[smem:$0x3FA6] =	sst s7  }
0x10: {  	[smem:$0x3FA7] =	sst s8  }
0x11: {  	[smem:$0x3FA8] =	sst s9;
	s0 =	simm.s32 @!p0 $0x0  }
0x12: {  	s1 =	sld [smem:$0x3F8E];
	s0 =	simm.s32 @p0 $0x1  }
0x13: {  	[smem:$0x3FA9] =	sst s0;
	s0 =	simm.s32 @!p1 $0x0  }
0x14: {  	s2 =	sld [smem:$0x3F8D];
	s0 =	simm.s32 @p1 $0x1  }
0x15: {  	[smem:$0x3FAA] =	sst s0;
	s0 =	simm.s32 @!p2 $0x0  }
0x16: {  	s3 =	sld [smem:$0x3FDB];
	s0 =	simm.s32 @p2 $0x1  }
0x17: {  	s4 =	simm.s32 $0x1BF5;
	[smem:$0x3FAC] =	sst s0  }
0x18: {  	s0 =	sld [smem:$0x3F8F];
	_ =	swait.ge [sflag:s4], $0x0  }
0x19: {  	s7 =	sld [smem:$0x3F90]  }
0x1a: {  	s8 =	sadd.s32 $0xFFFFE003, lr  }
0x1b: {  	s9 =	sadd.s32 $0xFFFFFEF7, lr;
	s5 =	simm.s32 $0xFFFFFFFF;
	p2 =	slt.u32 s8, $0xFFFFF086  }
0x1c: {  	p1 =	slt.u32 s9, $0xF7A;
	s5 =	simm.s32 @!p2 $0x0  }
0x1d: {  	s5 =	simm.s32 @p1 $0x1;
	p0 =	seq.s32 s7, s2  }
0x1e: {  	s7 =	smul.u32 @!p0 $0xF7A, s2;
	p2 =	seq.s32 @!p0 s5, $0x0  }
0x1f: {  	s9 =	smul.u32 $0xF7A, s1;
	s8 =	simm.s32 @!p0 $0x1BF5;
	p2 =	por !p2, p0  }
0x20: {  	[sflag:s8] =	ssyncset.s32 @!p0 $0xFFFFF086;
	s6 =	sadd.s32 @!p0 s3, s7;
	s7 =	simm.s32 @!p0 $0x108  }
0x21: {  	s3 =	sadd.s32 s3, s9;
	s6 =	sadd.s32 @!p0 $0x88, s6;
	s7 =	simm.s32 @p2 $0x1082  }
0x22: {  	[simem:s7], [sflag:s8] =	dma.local @!p0 [hbm:s6], $0xF7A  }
0x23: {  	s9 =	sor.u32 $0xD0000000, s2;
	s6 =	simm.s32 $0x108;
	_ =	swait.ge @!p0 [sflag:s8], $0x0  }
0x24: {  	s3 =	sadd.s32 $0x88, s3;
	s6 =	simm.s32 @!p1 $0x1082;
	[sflag:s4] =	ssyncset.s32 $0xFFFFF086  }
0x25: {  	[simem:s6], [sflag:s4] =	dma.local [hbm:s3], $0xF7A  }
0x26: {  	[smem:$0x3F90] =	sst s1;
	(tag) =	ssettag s2;
	_ =	strace s9  }
0x27: {  	s1 =	sld [smem:$0x3FA0]  }
0x28: {  	s2 =	sld [smem:$0x3FA1]  }
0x29: {  	s4 =	sld [smem:$0x3FA3]  }
0x2a: {  	p0 =	seq.s32 s5, $0x0;
	s5 =	sld [smem:$0x3FA4]  }
0x2b: {  	s6 =	sld [smem:$0x3FA5]  }
0x2c: {  	s7 =	sld [smem:$0x3FA6]  }
0x2d: {  	s3 =	simm.s32 $0x108;
	s8 =	sld [smem:$0x3FA7]  }
0x2e: {  	s3 =	simm.s32 @!p0 $0x1082;
	s9 =	sld [smem:$0x3FA8]  }
0x2f: {  	lr =	sadd.s32 s0, s3;
	s0 =	sld [smem:$0x3F9F]  }
0x30: {  	s3 =	sld [smem:$0x3FA2]  }
0x31: {  	[smem:$0x3FAB] =	sst s10  }
0x32: {  	s10 =	sld [smem:$0x3FA9];
	_ =	sdelay $0x3  }
0x33: {  	p0 =	seq.s32 s10, $0x1;
	s10 =	sld [smem:$0x3FAB];
	_ =	sdelay $0x3  }
0x34: {  	[smem:$0x3FAB] =	sst s10  }
0x35: {  	s10 =	sld [smem:$0x3FAA];
	_ =	sdelay $0x3  }
0x36: {  	p1 =	seq.s32 s10, $0x1;
	s10 =	sld [smem:$0x3FAB];
	_ =	sdelay $0x3  }
0x37: {  	[smem:$0x3FAB] =	sst s10  }
0x38: {  	s10 =	sld [smem:$0x3FAC]  }
0x39: {  	_ = 	snop;
	(pc) =	sbr.ind lr, $3  }
0x3a: {  	_ = 	snop  }
0x3b: {  	_ = 	snop  }
0x3c: {  	p2 =	seq.s32 s10, $0x1;
	s10 =	sld [smem:$0x3FAB]  }
0x3d: {  	_ =	shalt  }
0x3e: {  	_ =	shalt  }
0x3f: {  	_ =	shalt  }
0x40: {  	_ =	shalt  }
0x41: {  	_ =	shalt  }
0x42: {  	_ =	shalt  }
0x43: {  	_ =	shalt  }
0x44: {  	_ =	shalt  }
0x45: {  	_ =	shalt  }
0x46: {  	_ =	shalt  }
0x47: {  	_ =	shalt  }
0x48: {  	_ =	shalt  }
0x49: {  	_ =	shalt  }
0x4a: {  	_ =	shalt  }
0x4b: {  	_ =	shalt  }
0x4c: {  	_ =	shalt  }
0x4d: {  	_ =	shalt  }
0x4e: {  	_ =	shalt  }
0x4f: {  	_ =	shalt  }
0x50: {  	_ =	shalt  }
0x51: {  	_ =	shalt  }
0x52: {  	_ =	shalt  }
0x53: {  	_ =	shalt  }
0x54: {  	_ =	shalt  }
0x55: {  	_ =	shalt  }
0x56: {  	_ =	shalt  }
0x57: {  	_ =	shalt  }
0x58: {  	_ =	shalt  }
0x59: {  	_ =	shalt  }
0x5a: {  	_ =	shalt  }
0x5b: {  	_ =	shalt  }
0x5c: {  	_ =	shalt  }
0x5d: {  	_ =	shalt  }
0x5e: {  	_ =	shalt  }
0x5f: {  	_ =	shalt  }
0x60: {  	_ =	shalt  }
0x61: {  	_ =	shalt  }
0x62: {  	_ =	shalt  }
0x63: {  	_ =	shalt  }
0x64: {  	_ =	shalt  }
0x65: {  	_ =	shalt  }
0x66: {  	_ =	shalt  }
0x67: {  	_ =	shalt  }
0x68: {  	_ =	shalt  }
0x69: {  	_ =	shalt  }
0x6a: {  	_ =	shalt  }
0x6b: {  	_ =	shalt  }
0x6c: {  	_ =	shalt  }
0x6d: {  	_ =	shalt  }
0x6e: {  	_ =	shalt  }
0x6f: {  	_ =	shalt  }
0x70: {  	_ =	shalt  }
0x71: {  	_ =	shalt  }
0x72: {  	_ =	shalt  }
0x73: {  	_ =	shalt  }
0x74: {  	_ =	shalt  }
0x75: {  	_ =	shalt  }
0x76: {  	_ =	shalt  }
0x77: {  	_ =	shalt  }
0x78: {  	_ =	shalt  }
0x79: {  	_ =	shalt  }
0x7a: {  	_ =	shalt  }
0x7b: {  	_ =	shalt  }
0x7c: {  	_ =	shalt  }
0x7d: {  	_ =	shalt  }
0x7e: {  	_ =	shalt  }
0x7f: {  	_ =	shalt  }
0x80: {  	_ =	shalt  }
0x81: {  	_ =	shalt  }
0x82: {  	_ =	shalt  }
0x83: {  	_ =	shalt  }
0x84: {  	_ =	shalt  }
0x85: {  	_ =	shalt  }
0x86: {  	_ =	shalt  }
0x87: {  	_ =	shalt  }
.Lfunc_end0:
.L_simem_size_0:
called_computation.1_lowered:
.L_overlay_start_0:
0x88: {  	s2 =	sld [smem:$0x3FD9]  }
0x89: {  	s3 =	sld [smem:$0x3FFE];
	_ =	sdelay $0x1  }
0x8a: {  	s1 =	srdreg.scid  }
0x8b: {  	s0 =	sand.u32 $0x1, s1  }
0x8c: {  	s16 =	sshll.u32 s0, $0xA;
	s2 =	sadd.s32 s3, s2  }
0x8d: {  	s2 =	sadd.s32 s2, s16  }
0x8e: {  	[smem:$0x3FB7] =	sst s2  }
0x8f: {  	_ = 	snop  }
0x90: {  	(tm) =	ssettm $0x1  }
0x91: {  	s17 =	sld [smem:$0x3FFB];
	_ =	sdelay $0x3  }
0x92: {  	_ =	strace s17  }
0x93: {  	s2 =	sld [smem:$0x3FFC];
	_ =	sdelay $0x3  }
0x94: {  	_ =	strace s2  }
0x95: {  	s2 =	sld [smem:$0x3FFD];
	_ =	sdelay $0x3  }
0x96: {  	_ =	strace s2  }
0x97: {  	_ =	strace $0x8FFFFFFF  }
0x98: {  	s18 =	sld [smem:$0x3FDB];
	_ =	sdelay $0x1  }
0x99: {  	s19 =	simm.s32 $_scs_section_size  }
0x9a: {  	s4 =	simm.s32 $_size__tile_overlayer_lowered;
	s5 =	simm.s32 $_tile_overlayer_lowered  }
0x9b: {  	s22 =	simm.s32 $0x1BFF;
	s21 =	sshll.u32 s5, $0x1;
	s2 =	sadd.s32 s19, s18  }
0x9c: {  	s6 =	simm.s32 $0x0;
	s20 =	sshll.u32 s4, $0x1;
	s4 =	sadd.s32 s21, s2  }
0x9d: {  	[timem:s6], [sflag:s22] =	dma.local [hbm:s4], s20  }
0x9e: {  	_ =	swait.ge [sflag:s22], s20  }
0x9f: {  	s3 =	ssub.s32 $0x0, s20;
	[sflag:s22] =	ssyncset.done $0x0  }
0xa0: {  	[sflag:s22] =	ssyncadd.s32 s3;
	_ =	sdelay $0x1  }
0xa1: {  	s23 =	simm.s32 $0x1B8B  }
0xa2: {  	_ =	swait.ge [sflag:s23], $0x1  }
0xa3: {  	[sflag:s23] =	ssyncset.done $0x0  }
0xa4: {  	s25 =	simm.s32 $0x1B8E;
	s24 =	sld [smem:$0x3FFE];
	[sflag:s23] =	ssyncadd.s32 $0xFFFFFFFF  }
0xa5: {  	s26 =	simm.s32 $execute0_lowered;
	[smem:$0x3FD2] =	sst s25  }
0xa6: {  	s4 =	sshll.u32 s26, $0x1;
	_ =	strace $0x80000049;
	[dreg:$0x1] =	wrdreg $0xFFFFFFFF  }
0xa7: {  	s28 =	simm.s32 $_size_execute0_lowered;
	s2 =	sadd.s32 s2, s4;
	[dreg:$0x0] =	wrdreg $0x0  }
0xa8: {  	s4 =	sshll.u32 s28, $0x1;
	[dreg:$0x2] =	wrdreg s2  }
0xa9: {  	[dreg:$0x3] =	wrdreg s4  }
0xaa: {  	[dreg:$0x4] =	wrdreg $0xC0  }
0xab: {  	_ =	task [dreg:s6], $0x5FFFF  }
0xac: {  	[dreg:$0x1] =	wrdreg $0xFFFFFFFF  }
0xad: {  	[dreg:$0x0] =	wrdreg $0x60  }
0xae: {  	[dreg:$0x2] =	wrdreg s24  }
0xaf: {  	[dreg:$0x3] =	wrdreg $0x41000  }
0xb0: {  	[dreg:$0x4] =	wrdreg $0x9  }
0xb1: {  	_ =	task.clear_ibuf [dreg:s6], $0x5FFFF;
	_ =	strace $0x90000049  }
0xb2: {  	s29 =	simm.s32 $0x9;
	_ =	strace $0x8000004B  }
0xb3: {  	_ =	swait.ge [sflag:s29], $0x1  }
0xb4: {  	[sflag:s29] =	ssyncadd.s32 $0xFFFFFFFF  }
0xb5: {  	_ =	strace $0x9000004B  }
0xb6: {  	_ =	sfence  }
0xb7: {  	s30 =	sld [smem:$0x0];
	_ =	sdelay $0x2  }
0xb8: {  	s31 =	sshll.u32 s1, $0xD;
	s1 =	sshrl.u32 s1, $0x2  }
0xb9: {  	s3 =	sand.u32 $0x4000, s31;
	s1 =	sadd.s32 s1, s30  }
0xba: {  	s0 =	sor.u32 s3, s0;
	s1 =	sshll.u32 s1, $0x11  }
0xbb: {  	s0 =	sor.u32 s1, s0  }
0xbc: {  	s0 =	sadd.s32 $0x8F2B, s0  }
0xbd: {  	[sflag:s0] =	ssyncadd.remote.s32 $0x1  }
0xbe: {  	_ =	sfence.sel $0xFFFF  }
0xbf: {  	[dreg:$0x0] =	wrdreg $0xFFFFFFFF;
	(pc) =	sbr.abs _section_cstart, $3  }
0xc0: {  	[dreg:$0x1] =	wrdreg $0xFFFFFFFF  }
0xc1: {  	_ =	task.clear_ibuf [dreg:s6], $0x2FFFF;
	_ =	strace $0x9FFFFFFF  }
0xc2: {  	(tm) =	ssettm $0x7FFFFFFF  }
0xc3: {  	_ =	shalt  }
tec
execute0_lowered:
.L_overlay_start_1:
0x0: {  	(tag) =	ssettag $0x1  }
0x1: {  	s5 =	rddreg [dreg:$0x0];
	s0 =	srdreg.scid  }
0x2: {  	s2 =	rddreg [dreg:$0x1];
	s1 =	stileid.u32;
	s3 =	simm.s32 $0x0  }
0x3: {  	s13 =	simm.s32 $0x80;
	s14 =	simm.s32 $0x100;
	s8 =	smul.u32 $0x2800, s1  }
0x4: {  	s15 =	simm.s32 $0x1;
	s16 =	simm.s32 $0x0;
	s26 =	smul.u32 $0x50000, s1  }
0x5: {  	s6 =	sand.u32 $0x1, s0;
	s0 =	rddreg [dreg:$0x2];
	s30 =	smul.u32 $0x4F0, s1  }
0x6: {  	[smem:$0x7FF] =	sst s3;
	s4 =	sadd.s32 $0x72A00, s5;
	s7 =	smul.u32 $0x4F00, s6  }
0x7: {  	s31 =	sshll.u32 s1, $0x6;
	s9 =	smul.u32 $0x28000, s6;
	s6 =	ssub.s32 $0x2, s6  }
0x8: {  	_ =	strace $0x8000004A;
	s28 =	sshrl.u32 s6, $0x1;
	s29 =	sshrl.u32 s26, $0x2  }
0x9: {  	s10 =	sadd.s32 s7, s5;
	s25 =	sadd.s32 s8, s9;
	s8 =	sadd.s32 s8, s5  }
0xa: {  	s11 =	ssub.s32 s6, s28;
	s12 =	sadd.s32 s29, s2;
	s6 =	sor.u32 $0x1C02, s31  }
0xb: {  	s7 =	sadd.s32 s25, s5;
	s5 =	sadd.s32 $0x9AA00, s8;
	s10 =	sadd.s32 s30, s10  }
0xc: {  	s8 =	smax.u32 s11, $0x1;
	s11 =	sshrl.u32 s12, $0x3;
	s12 =	simm.s32 $0x2  }
0xd: {  	s7 =	sadd.s32 $0xC2A00, s7;
	s9 =	sadd.s32 $0x4E00, s10;
	s10 =	sadd.s32 $0x40C00, s10  }
.LBB2_1:
0xe: {  	[spmem:s11], [sflag:s6] =	dma.local [hbm:s5], $0x2800  }
0xf: {  	_ =	swait.ge [sflag:s12], $0x2800  }
0x10: {  	[sflag:s12] =	ssyncset.done $0x0  }
0x11: {  	[sflag:s12] =	ssyncadd.s32 $0xFFFFD800  }
0x12: {  	s17 =	sadd.s32 $0x0, s10;
	[bflag:$0x0] =	sbarrier.arrive $0xFFFF  }
0x13: {  	[tilespmem:s3], [sflag:$0x2] =	stream.linear.gather [hbm4b:s17+s3], $0x80, $0x38;
	[tilespmem:$0x18100] =	vst v63  }
0x14: {  	_ =	swait.ge [sflag:s12], $0x80  }
0x15: {  	[sflag:s12] =	ssyncset.done $0x0  }
0x16: {  	s31 =	sadd.s32 $0x0, s9;
	[sflag:s12] =	ssyncadd.s32 $0xFFFFFF80  }
0x17: {  	[tilespmem:s13], [sflag:$0x2] =	stream.linear.gather [hbm4b:s31+s3], $0x80, $0x38;
	[tilespmem:$0x18100] =	vst v63  }
0x18: {  	_ =	swait.ge [sflag:s12], $0x80  }
0x19: {  	[sflag:s12] =	ssyncset.done $0x0  }
0x1a: {  	[sflag:s12] =	ssyncadd.s32 $0xFFFFFF80  }
0x1b: {  	[tilespmem:s14], [sflag:$0x1] =	stream.indirect.gather [hbm4b:s4+s13], $0x80, s3, s13, $0xb8;
	[tilespmem:$0x18100] =	vst v63  }
0x1c: {  	_ =	swait.ge [sflag:s15], $0x4000  }
0x1d: {  	[sflag:s15] =	ssyncset.done $0x0  }
0x1e: {  	[sflag:s15] =	ssyncadd.s32 $0xFFFFC000  }
0x1f: {  	[spmem:s2] =	stream.indirect.scatter.add.f32 [tilespmem:s14], [sflag:$0x2], $0x80, s13, s13, $0xb8;
	[tilespmem:$0x18100] =	vst v63  }
0x20: {  	_ =	swait.ge [sflag:s12], $0x4000  }
0x21: {  	s18 =	simm.s32 $0x20;
	s17 =	simm.s32 $0x10;
	[sflag:s12] =	ssyncset.done $0x0  }
.LBB2_2:
0x22: {  	s19 =	sadd.s32 s17, s10  }
0x23: {  	[sflag:s12] =	ssyncadd.s32 $0xFFFFC000;
	s20 =	smov.u32 s18;
	s21 =	sadd.s32 $0x10, s18  }
0x24: {  	[tilespmem:s3], [sflag:$0x2] =	stream.linear.gather [hbm4b:s19+s3], $0x80, $0x38;
	[tilespmem:$0x18100] =	vst v63  }
0x25: {  	p0 =	sne.s32 s18, $0x4E0;
	_ =	swait.ge [sflag:s12], $0x80  }
0x26: {  	[sflag:s12] =	ssyncset.done $0x0  }
0x27: {  	s18 =	sadd.s32 s17, s9;
	s17 =	smov.u32 s20;
	[sflag:s12] =	ssyncadd.s32 $0xFFFFFF80  }
0x28: {  	[tilespmem:s13], [sflag:$0x2] =	stream.linear.gather [hbm4b:s18+s3], $0x80, $0x38;
	[tilespmem:$0x18100] =	vst v63  }
0x29: {  	_ =	swait.ge [sflag:s12], $0x80  }
0x2a: {  	[sflag:s12] =	ssyncset.done $0x0  }
0x2b: {  	[sflag:s12] =	ssyncadd.s32 $0xFFFFFF80  }
0x2c: {  	[tilespmem:s14], [sflag:$0x1] =	stream.indirect.gather [hbm4b:s4+s13], $0x80, s3, s13, $0xb8;
	[tilespmem:$0x18100] =	vst v63  }
0x2d: {  	_ =	swait.ge [sflag:s15], $0x4000  }
.Ltmp0:
0x2e: {  	[sflag:s15] =	ssyncset.done $0x0;
	(pc) =	sbr.rel @p0 .LBB2_2-.Ltmp0, $4  }
0x2f: {  	[sflag:s15] =	ssyncadd.s32 $0xFFFFC000  }
0x30: {  	[spmem:s2] =	stream.indirect.scatter.add.f32 [tilespmem:s14], [sflag:$0x2], $0x80, s13, s13, $0xb8;
	[tilespmem:$0x18100] =	vst v63  }
0x31: {  	_ =	swait.ge [sflag:s12], $0x4000  }
0x32: {  	s18 =	smov.u32 s21;
	[sflag:s12] =	ssyncset.done $0x0  }
0x33: {  	s18 =	sadd.s32 s17, s10;
	[sflag:s12] =	ssyncadd.s32 $0xFFFFC000  }
0x34: {  	[tilespmem:s3], [sflag:$0x2] =	stream.linear.gather [hbm4b:s18+s3], $0x80, $0x38;
	[tilespmem:$0x18100] =	vst v63  }
0x35: {  	_ =	swait.ge [sflag:s12], $0x80  }
0x36: {  	[sflag:s12] =	ssyncset.done $0x0  }
0x37: {  	s31 =	sadd.s32 s17, s9;
	[sflag:s12] =	ssyncadd.s32 $0xFFFFFF80  }
0x38: {  	[tilespmem:s13], [sflag:$0x2] =	stream.linear.gather [hbm4b:s31+s3], $0x80, $0x38;
	[tilespmem:$0x18100] =	vst v63  }
0x39: {  	_ =	swait.ge [sflag:s12], $0x80  }
0x3a: {  	[sflag:s12] =	ssyncset.done $0x0  }
0x3b: {  	[sflag:s12] =	ssyncadd.s32 $0xFFFFFF80  }
0x3c: {  	[tilespmem:s14], [sflag:$0x1] =	stream.indirect.gather [hbm4b:s4+s13], $0x80, s3, s13, $0xb8;
	[tilespmem:$0x18100] =	vst v63  }
0x3d: {  	_ =	swait.ge [sflag:s15], $0x4000  }
0x3e: {  	[sflag:s15] =	ssyncset.done $0x0  }
0x3f: {  	[sflag:s15] =	ssyncadd.s32 $0xFFFFC000  }
0x40: {  	[spmem:s2] =	stream.indirect.scatter.add.f32 [tilespmem:s14], [sflag:$0x2], $0x80, s13, s13, $0xb8;
	[tilespmem:$0x18100] =	vst v63  }
0x41: {  	_ =	swait.ge [sflag:s12], $0x4000  }
0x42: {  	s16 =	sadd.s32 $0x1, s16;
	[sflag:s12] =	ssyncset.done $0x0  }
0x43: {  	p0 =	sne.s32 s16, s8;
	[sflag:s12] =	ssyncadd.s32 $0xFFFFC000  }
.Ltmp1:
0x44: {  	[bflag:$0x0] =	sbarrier.arrive $0xFFFF;
	(pc) =	sbr.rel @p0 .LBB2_1-.Ltmp1, $4  }
0x45: {  	[hbm:s7], [sflag:s6] =	dma.local [spmem:s11], $0x2800  }
0x46: {  	_ =	swait.ge [sflag:s12], $0x2800  }
0x47: {  	[sflag:s12] =	ssyncset.done $0x0  }
0x48: {  	[sflag:s12] =	ssyncadd.s32 $0xFFFFD800  }
0x49: {  	_ =	sfence.sel $0x180000  }
0x4a: {  	[bflag:$0x0] =	sbarrier.arrive $0xFFFF  }
0x4b: {  	p0 =	sne.s32 s1, $0x0;
	_ =	strace $0x9000004A  }
0x4c: {  	s0 =	sadd.s32 @!p0 $0x100000, s0;
	[bflag:$0x2] =	sbarrier.arrive $0xFFFF  }
0x4d: {  	[sflag:s0] =	ssyncadd.tile.s32 @!p0 $0x1;
	_ =	shalt  }
.Lfunc_end2:
_tile_overlayer_lowered:
.L_overlay_start_2:
0x4e: {  	(tag) =	ssettag $0x2  }
0x4f: {  	s0 =	rddreg [dreg:$0x0];
	s2 =	stileid.u32  }
0x50: {  	s1 =	rddreg [dreg:$0x1];
	p0 =	sne.s32 s2, $0x0  }
0x51: {  	s3 =	rddreg [dreg:$0x2];
	[bflag:$0x3] =	sbarrier.arrive $0xFFFF;
	s2 =	simm.s32 @!p0 $0x1C02  }
0x52: {  	[timem:s3], [sflag:s2] =	dma.local @!p0 [hbm:s0], s1  }
0x53: {  	s0 =	simm.s32 @!p0 $0x2  }
0x54: {  	_ =	swait.ge @!p0 [sflag:s0], s1  }
0x55: {  	s1 =	ssub.s32 @!p0 $0x0, s1;
	[sflag:s0] =	ssyncset.done @!p0 $0x0  }
0x56: {  	[sflag:s0] =	ssyncadd.s32 @!p0 s1  }
0x57: {  	[bflag:$0x3] =	sbarrier.arrive $0xFFFF  }
0x58: {  	_ =	shalt  }

// kernel: kernel.14.cloned.1.call-start
scs
__scs_entry_jumppad:
0x0: {  	(pc) =	sbr.rel $0x88, $3  }
0x1: {  	(tag) =	ssettag $0x0;
	lr =	simm.s32 $0x1  }
0x2: {  	[smem:$0x3F90] =	sst lr;
	_ =	strace $0xD0000000  }
0x3: {  	_ = 	snop  }
0x4: {  	_ = 	snop  }
0x5: {  	_ = 	snop  }
0x6: {  	_ = 	snop  }
0x7: {  	_ = 	snop  }
__scs_overlays_trampoline_lowered:
0x8: {  	[smem:$0x3F9F] =	sst s0  }
0x9: {  	[smem:$0x3FA0] =	sst s1  }
0xa: {  	[smem:$0x3FA1] =	sst s2  }
0xb: {  	[smem:$0x3FA2] =	sst s3  }
0xc: {  	[smem:$0x3FA3] =	sst s4  }
0xd: {  	[smem:$0x3FA4] =	sst s5  }
0xe: {  	[smem:$0x3FA5] =	sst s6  }
0xf: {  	[smem:$0x3FA6] =	sst s7  }
0x10: {  	[smem:$0x3FA7] =	sst s8  }
0x11: {  	[smem:$0x3FA8] =	sst s9;
	s0 =	simm.s32 @!p0 $0x0  }
0x12: {  	s1 =	sld [smem:$0x3F8E];
	s0 =	simm.s32 @p0 $0x1  }
0x13: {  	[smem:$0x3FA9] =	sst s0;
	s0 =	simm.s32 @!p1 $0x0  }
0x14: {  	s2 =	sld [smem:$0x3F8D];
	s0 =	simm.s32 @p1 $0x1  }
0x15: {  	[smem:$0x3FAA] =	sst s0;
	s0 =	simm.s32 @!p2 $0x0  }
0x16: {  	s3 =	sld [smem:$0x3FDB];
	s0 =	simm.s32 @p2 $0x1  }
0x17: {  	s4 =	simm.s32 $0x1BF5;
	[smem:$0x3FAC] =	sst s0  }
0x18: {  	s0 =	sld [smem:$0x3F8F];
	_ =	swait.ge [sflag:s4], $0x0  }
0x19: {  	s7 =	sld [smem:$0x3F90]  }
0x1a: {  	s8 =	sadd.s32 $0xFFFFE003, lr  }
0x1b: {  	s9 =	sadd.s32 $0xFFFFFEF7, lr;
	s5 =	simm.s32 $0xFFFFFFFF;
	p2 =	slt.u32 s8, $0xFFFFF086  }
0x1c: {  	p1 =	slt.u32 s9, $0xF7A;
	s5 =	simm.s32 @!p2 $0x0  }
0x1d: {  	s5 =	simm.s32 @p1 $0x1;
	p0 =	seq.s32 s7, s2  }
0x1e: {  	s7 =	smul.u32 @!p0 $0xF7A, s2;
	p2 =	seq.s32 @!p0 s5, $0x0  }
0x1f: {  	s9 =	smul.u32 $0xF7A, s1;
	s8 =	simm.s32 @!p0 $0x1BF5;
	p2 =	por !p2, p0  }
0x20: {  	[sflag:s8] =	ssyncset.s32 @!p0 $0xFFFFF086;
	s6 =	sadd.s32 @!p0 s3, s7;
	s7 =	simm.s32 @!p0 $0x108  }
0x21: {  	s3 =	sadd.s32 s3, s9;
	s6 =	sadd.s32 @!p0 $0x88, s6;
	s7 =	simm.s32 @p2 $0x1082  }
0x22: {  	[simem:s7], [sflag:s8] =	dma.local @!p0 [hbm:s6], $0xF7A  }
0x23: {  	s9 =	sor.u32 $0xD0000000, s2;
	s6 =	simm.s32 $0x108;
	_ =	swait.ge @!p0 [sflag:s8], $0x0  }
0x24: {  	s3 =	sadd.s32 $0x88, s3;
	s6 =	simm.s32 @!p1 $0x1082;
	[sflag:s4] =	ssyncset.s32 $0xFFFFF086  }
0x25: {  	[simem:s6], [sflag:s4] =	dma.local [hbm:s3], $0xF7A  }
0x26: {  	[smem:$0x3F90] =	sst s1;
	(tag) =	ssettag s2;
	_ =	strace s9  }
0x27: {  	s1 =	sld [smem:$0x3FA0]  }
0x28: {  	s2 =	sld [smem:$0x3FA1]  }
0x29: {  	s4 =	sld [smem:$0x3FA3]  }
0x2a: {  	p0 =	seq.s32 s5, $0x0;
	s5 =	sld [smem:$0x3FA4]  }
0x2b: {  	s6 =	sld [smem:$0x3FA5]  }
0x2c: {  	s7 =	sld [smem:$0x3FA6]  }
0x2d: {  	s3 =	simm.s32 $0x108;
	s8 =	sld [smem:$0x3FA7]  }
0x2e: {  	s3 =	simm.s32 @!p0 $0x1082;
	s9 =	sld [smem:$0x3FA8]  }
0x2f: {  	lr =	sadd.s32 s0, s3;
	s0 =	sld [smem:$0x3F9F]  }
0x30: {  	s3 =	sld [smem:$0x3FA2]  }
0x31: {  	[smem:$0x3FAB] =	sst s10  }
0x32: {  	s10 =	sld [smem:$0x3FA9];
	_ =	sdelay $0x3  }
0x33: {  	p0 =	seq.s32 s10, $0x1;
	s10 =	sld [smem:$0x3FAB];
	_ =	sdelay $0x3  }
0x34: {  	[smem:$0x3FAB] =	sst s10  }
0x35: {  	s10 =	sld [smem:$0x3FAA];
	_ =	sdelay $0x3  }
0x36: {  	p1 =	seq.s32 s10, $0x1;
	s10 =	sld [smem:$0x3FAB];
	_ =	sdelay $0x3  }
0x37: {  	[smem:$0x3FAB] =	sst s10  }
0x38: {  	s10 =	sld [smem:$0x3FAC]  }
0x39: {  	_ = 	snop;
	(pc) =	sbr.ind lr, $3  }
0x3a: {  	_ = 	snop  }
0x3b: {  	_ = 	snop  }
0x3c: {  	p2 =	seq.s32 s10, $0x1;
	s10 =	sld [smem:$0x3FAB]  }
0x3d: {  	_ =	shalt  }
0x3e: {  	_ =	shalt  }
0x3f: {  	_ =	shalt  }
0x40: {  	_ =	shalt  }
0x41: {  	_ =	shalt  }
0x42: {  	_ =	shalt  }
0x43: {  	_ =	shalt  }
0x44: {  	_ =	shalt  }
0x45: {  	_ =	shalt  }
0x46: {  	_ =	shalt  }
0x47: {  	_ =	shalt  }
0x48: {  	_ =	shalt  }
0x49: {  	_ =	shalt  }
0x4a: {  	_ =	shalt  }
0x4b: {  	_ =	shalt  }
0x4c: {  	_ =	shalt  }
0x4d: {  	_ =	shalt  }
0x4e: {  	_ =	shalt  }
0x4f: {  	_ =	shalt  }
0x50: {  	_ =	shalt  }
0x51: {  	_ =	shalt  }
0x52: {  	_ =	shalt  }
0x53: {  	_ =	shalt  }
0x54: {  	_ =	shalt  }
0x55: {  	_ =	shalt  }
0x56: {  	_ =	shalt  }
0x57: {  	_ =	shalt  }
0x58: {  	_ =	shalt  }
0x59: {  	_ =	shalt  }
0x5a: {  	_ =	shalt  }
0x5b: {  	_ =	shalt  }
0x5c: {  	_ =	shalt  }
0x5d: {  	_ =	shalt  }
0x5e: {  	_ =	shalt  }
0x5f: {  	_ =	shalt  }
0x60: {  	_ =	shalt  }
0x61: {  	_ =	shalt  }
0x62: {  	_ =	shalt  }
0x63: {  	_ =	shalt  }
0x64: {  	_ =	shalt  }
0x65: {  	_ =	shalt  }
0x66: {  	_ =	shalt  }
0x67: {  	_ =	shalt  }
0x68: {  	_ =	shalt  }
0x69: {  	_ =	shalt  }
0x6a: {  	_ =	shalt  }
0x6b: {  	_ =	shalt  }
0x6c: {  	_ =	shalt  }
0x6d: {  	_ =	shalt  }
0x6e: {  	_ =	shalt  }
0x6f: {  	_ =	shalt  }
0x70: {  	_ =	shalt  }
0x71: {  	_ =	shalt  }
0x72: {  	_ =	shalt  }
0x73: {  	_ =	shalt  }
0x74: {  	_ =	shalt  }
0x75: {  	_ =	shalt  }
0x76: {  	_ =	shalt  }
0x77: {  	_ =	shalt  }
0x78: {  	_ =	shalt  }
0x79: {  	_ =	shalt  }
0x7a: {  	_ =	shalt  }
0x7b: {  	_ =	shalt  }
0x7c: {  	_ =	shalt  }
0x7d: {  	_ =	shalt  }
0x7e: {  	_ =	shalt  }
0x7f: {  	_ =	shalt  }
0x80: {  	_ =	shalt  }
0x81: {  	_ =	shalt  }
0x82: {  	_ =	shalt  }
0x83: {  	_ =	shalt  }
0x84: {  	_ =	shalt  }
0x85: {  	_ =	shalt  }
0x86: {  	_ =	shalt  }
0x87: {  	_ =	shalt  }
.Lfunc_end0:
.L_simem_size_0:
called_computation.2_lowered:
.L_overlay_start_0:
0x88: {  	s2 =	sld [smem:$0x3FD9]  }
0x89: {  	s3 =	sld [smem:$0x3FFE];
	_ =	sdelay $0x1  }
0x8a: {  	s1 =	srdreg.scid  }
0x8b: {  	s0 =	sand.u32 $0x1, s1  }
0x8c: {  	s16 =	sshll.u32 s0, $0xA;
	s2 =	sadd.s32 s3, s2  }
0x8d: {  	s2 =	sadd.s32 s2, s16  }
0x8e: {  	[smem:$0x3FB7] =	sst s2  }
0x8f: {  	_ = 	snop  }
0x90: {  	(tm) =	ssettm $0x1  }
0x91: {  	s17 =	sld [smem:$0x3FFB];
	_ =	sdelay $0x3  }
0x92: {  	_ =	strace s17  }
0x93: {  	s2 =	sld [smem:$0x3FFC];
	_ =	sdelay $0x3  }
0x94: {  	_ =	strace s2  }
0x95: {  	s2 =	sld [smem:$0x3FFD];
	_ =	sdelay $0x3  }
0x96: {  	_ =	strace s2  }
0x97: {  	_ =	strace $0x8FFFFFFF  }
0x98: {  	s18 =	sld [smem:$0x3FDB];
	_ =	sdelay $0x1  }
0x99: {  	s19 =	simm.s32 $_scs_section_size  }
0x9a: {  	s4 =	simm.s32 $_size__tile_overlayer_lowered;
	s5 =	simm.s32 $_tile_overlayer_lowered  }
0x9b: {  	s22 =	simm.s32 $0x1BFF;
	s21 =	sshll.u32 s5, $0x1;
	s2 =	sadd.s32 s19, s18  }
0x9c: {  	s6 =	simm.s32 $0x0;
	s20 =	sshll.u32 s4, $0x1;
	s4 =	sadd.s32 s21, s2  }
0x9d: {  	[timem:s6], [sflag:s22] =	dma.local [hbm:s4], s20  }
0x9e: {  	_ =	swait.ge [sflag:s22], s20  }
0x9f: {  	s3 =	ssub.s32 $0x0, s20;
	[sflag:s22] =	ssyncset.done $0x0  }
0xa0: {  	[sflag:s22] =	ssyncadd.s32 s3;
	_ =	sdelay $0x1  }
0xa1: {  	s23 =	simm.s32 $0x1B8B  }
0xa2: {  	_ =	swait.ge [sflag:s23], $0x1  }
0xa3: {  	[sflag:s23] =	ssyncset.done $0x0  }
0xa4: {  	s25 =	simm.s32 $0x1B8E;
	s24 =	sld [smem:$0x3FFE];
	[sflag:s23] =	ssyncadd.s32 $0xFFFFFFFF  }
0xa5: {  	s26 =	simm.s32 $execute0_lowered;
	[smem:$0x3FD2] =	sst s25  }
0xa6: {  	s4 =	sshll.u32 s26, $0x1;
	_ =	strace $0x8000004C;
	[dreg:$0x1] =	wrdreg $0xFFFFFFFF  }
0xa7: {  	s28 =	simm.s32 $_size_execute0_lowered;
	s2 =	sadd.s32 s2, s4;
	[dreg:$0x0] =	wrdreg $0x0  }
0xa8: {  	s4 =	sshll.u32 s28, $0x1;
	[dreg:$0x2] =	wrdreg s2  }
0xa9: {  	[dreg:$0x3] =	wrdreg s4  }
0xaa: {  	[dreg:$0x4] =	wrdreg $0xC0  }
0xab: {  	_ =	task [dreg:s6], $0x5FFFF  }
0xac: {  	[dreg:$0x1] =	wrdreg $0xFFFFFFFF  }
0xad: {  	[dreg:$0x0] =	wrdreg $0x60  }
0xae: {  	[dreg:$0x2] =	wrdreg s24  }
0xaf: {  	[dreg:$0x3] =	wrdreg $0x41000  }
0xb0: {  	[dreg:$0x4] =	wrdreg $0x9  }
0xb1: {  	_ =	task.clear_ibuf [dreg:s6], $0x5FFFF;
	_ =	strace $0x9000004C  }
0xb2: {  	s29 =	simm.s32 $0x9;
	_ =	strace $0x8000004E  }
0xb3: {  	_ =	swait.ge [sflag:s29], $0x1  }
0xb4: {  	[sflag:s29] =	ssyncadd.s32 $0xFFFFFFFF  }
0xb5: {  	_ =	strace $0x9000004E  }
0xb6: {  	_ =	sfence  }
0xb7: {  	s30 =	sld [smem:$0x0];
	_ =	sdelay $0x2  }
0xb8: {  	s31 =	sshll.u32 s1, $0xD;
	s1 =	sshrl.u32 s1, $0x2  }
0xb9: {  	s3 =	sand.u32 $0x4000, s31;
	s1 =	sadd.s32 s1, s30  }
0xba: {  	s0 =	sor.u32 s3, s0;
	s1 =	sshll.u32 s1, $0x11  }
0xbb: {  	s0 =	sor.u32 s1, s0  }
0xbc: {  	s0 =	sadd.s32 $0x8F2B, s0  }
0xbd: {  	[sflag:s0] =	ssyncadd.remote.s32 $0x1  }
0xbe: {  	_ =	sfence.sel $0xFFFF  }
0xbf: {  	[dreg:$0x0] =	wrdreg $0xFFFFFFFF;
	(pc) =	sbr.abs _section_cstart, $3  }
0xc0: {  	[dreg:$0x1] =	wrdreg $0xFFFFFFFF  }
0xc1: {  	_ =	task.clear_ibuf [dreg:s6], $0x2FFFF;
	_ =	strace $0x9FFFFFFF  }
0xc2: {  	(tm) =	ssettm $0x7FFFFFFF  }
0xc3: {  	_ =	shalt  }
tec
execute0_lowered:
.L_overlay_start_1:
0x0: {  	(tag) =	ssettag $0x1  }
0x1: {  	s5 =	rddreg [dreg:$0x0];
	s0 =	srdreg.scid  }
0x2: {  	s2 =	rddreg [dreg:$0x1];
	s1 =	stileid.u32;
	s3 =	simm.s32 $0x0  }
0x3: {  	s13 =	simm.s32 $0x80;
	s14 =	simm.s32 $0x100;
	s8 =	smul.u32 $0x2800, s1  }
0x4: {  	s15 =	simm.s32 $0x1;
	s16 =	simm.s32 $0x0;
	s26 =	smul.u32 $0x50000, s1  }
0x5: {  	s6 =	sand.u32 $0x1, s0;
	s0 =	rddreg [dreg:$0x2];
	s30 =	smul.u32 $0x4F0, s1  }
0x6: {  	[smem:$0x7FF] =	sst s3;
	s4 =	sadd.s32 $0x72A00, s5;
	s7 =	smul.u32 $0x4F00, s6  }
0x7: {  	s31 =	sshll.u32 s1, $0x6;
	s9 =	smul.u32 $0x28000, s6;
	s6 =	ssub.s32 $0x2, s6  }
0x8: {  	_ =	strace $0x8000004D;
	s28 =	sshrl.u32 s6, $0x1;
	s29 =	sshrl.u32 s26, $0x2  }
0x9: {  	s10 =	sadd.s32 s7, s5;
	s25 =	sadd.s32 s8, s9;
	s8 =	sadd.s32 s8, s5  }
0xa: {  	s11 =	ssub.s32 s6, s28;
	s12 =	sadd.s32 s29, s2;
	s6 =	sor.u32 $0x1C02, s31  }
0xb: {  	s7 =	sadd.s32 s25, s5;
	s5 =	sadd.s32 $0x9AA00, s8;
	s10 =	sadd.s32 s30, s10  }
0xc: {  	s8 =	smax.u32 s11, $0x1;
	s11 =	sshrl.u32 s12, $0x3;
	s12 =	simm.s32 $0x2  }
0xd: {  	s7 =	sadd.s32 $0xC2A00, s7;
	s9 =	sadd.s32 $0x4E00, s10;
	s10 =	sadd.s32 $0x40C00, s10  }
.LBB2_1:
0xe: {  	[spmem:s11], [sflag:s6] =	dma.local [hbm:s5], $0x2800  }
0xf: {  	_ =	swait.ge [sflag:s12], $0x2800  }
0x10: {  	[sflag:s12] =	ssyncset.done $0x0  }
0x11: {  	[sflag:s12] =	ssyncadd.s32 $0xFFFFD800  }
0x12: {  	s17 =	sadd.s32 $0x0, s10;
	[bflag:$0x0] =	sbarrier.arrive $0xFFFF  }
0x13: {  	[tilespmem:s3], [sflag:$0x2] =	stream.linear.gather [hbm4b:s17+s3], $0x80, $0x38;
	[tilespmem:$0x18100] =	vst v63  }
0x14: {  	_ =	swait.ge [sflag:s12], $0x80  }
0x15: {  	[sflag:s12] =	ssyncset.done $0x0  }
0x16: {  	s31 =	sadd.s32 $0x0, s9;
	[sflag:s12] =	ssyncadd.s32 $0xFFFFFF80  }
0x17: {  	[tilespmem:s13], [sflag:$0x2] =	stream.linear.gather [hbm4b:s31+s3], $0x80, $0x38;
	[tilespmem:$0x18100] =	vst v63  }
0x18: {  	_ =	swait.ge [sflag:s12], $0x80  }
0x19: {  	[sflag:s12] =	ssyncset.done $0x0  }
0x1a: {  	[sflag:s12] =	ssyncadd.s32 $0xFFFFFF80  }
0x1b: {  	[tilespmem:s14], [sflag:$0x1] =	stream.indirect.gather [hbm4b:s4+s13], $0x80, s3, s13, $0xb8;
	[tilespmem:$0x18100] =	vst v63  }
0x1c: {  	_ =	swait.ge [sflag:s15], $0x4000  }
0x1d: {  	[sflag:s15] =	ssyncset.done $0x0  }
0x1e: {  	[sflag:s15] =	ssyncadd.s32 $0xFFFFC000  }
0x1f: {  	[spmem:s2] =	stream.indirect.scatter.add.f32 [tilespmem:s14], [sflag:$0x2], $0x80, s13, s13, $0xb8;
	[tilespmem:$0x18100] =	vst v63  }
0x20: {  	_ =	swait.ge [sflag:s12], $0x4000  }
0x21: {  	s18 =	simm.s32 $0x20;
	s17 =	simm.s32 $0x10;
	[sflag:s12] =	ssyncset.done $0x0  }
.LBB2_2:
0x22: {  	s19 =	sadd.s32 s17, s10  }
0x23: {  	[sflag:s12] =	ssyncadd.s32 $0xFFFFC000;
	s20 =	smov.u32 s18;
	s21 =	sadd.s32 $0x10, s18  }
0x24: {  	[tilespmem:s3], [sflag:$0x2] =	stream.linear.gather [hbm4b:s19+s3], $0x80, $0x38;
	[tilespmem:$0x18100] =	vst v63  }
0x25: {  	p0 =	sne.s32 s18, $0x4E0;
	_ =	swait.ge [sflag:s12], $0x80  }
0x26: {  	[sflag:s12] =	ssyncset.done $0x0  }
0x27: {  	s18 =	sadd.s32 s17, s9;
	s17 =	smov.u32 s20;
	[sflag:s12] =	ssyncadd.s32 $0xFFFFFF80  }
0x28: {  	[tilespmem:s13], [sflag:$0x2] =	stream.linear.gather [hbm4b:s18+s3], $0x80, $0x38;
	[tilespmem:$0x18100] =	vst v63  }
0x29: {  	_ =	swait.ge [sflag:s12], $0x80  }
0x2a: {  	[sflag:s12] =	ssyncset.done $0x0  }
0x2b: {  	[sflag:s12] =	ssyncadd.s32 $0xFFFFFF80  }
0x2c: {  	[tilespmem:s14], [sflag:$0x1] =	stream.indirect.gather [hbm4b:s4+s13], $0x80, s3, s13, $0xb8;
	[tilespmem:$0x18100] =	vst v63  }
0x2d: {  	_ =	swait.ge [sflag:s15], $0x4000  }
.Ltmp0:
0x2e: {  	[sflag:s15] =	ssyncset.done $0x0;
	(pc) =	sbr.rel @p0 .LBB2_2-.Ltmp0, $4  }
0x2f: {  	[sflag:s15] =	ssyncadd.s32 $0xFFFFC000  }
0x30: {  	[spmem:s2] =	stream.indirect.scatter.add.f32 [tilespmem:s14], [sflag:$0x2], $0x80, s13, s13, $0xb8;
	[tilespmem:$0x18100] =	vst v63  }
0x31: {  	_ =	swait.ge [sflag:s12], $0x4000  }
0x32: {  	s18 =	smov.u32 s21;
	[sflag:s12] =	ssyncset.done $0x0  }
0x33: {  	s18 =	sadd.s32 s17, s10;
	[sflag:s12] =	ssyncadd.s32 $0xFFFFC000  }
0x34: {  	[tilespmem:s3], [sflag:$0x2] =	stream.linear.gather [hbm4b:s18+s3], $0x80, $0x38;
	[tilespmem:$0x18100] =	vst v63  }
0x35: {  	_ =	swait.ge [sflag:s12], $0x80  }
0x36: {  	[sflag:s12] =	ssyncset.done $0x0  }
0x37: {  	s31 =	sadd.s32 s17, s9;
	[sflag:s12] =	ssyncadd.s32 $0xFFFFFF80  }
0x38: {  	[tilespmem:s13], [sflag:$0x2] =	stream.linear.gather [hbm4b:s31+s3], $0x80, $0x38;
	[tilespmem:$0x18100] =	vst v63  }
0x39: {  	_ =	swait.ge [sflag:s12], $0x80  }
0x3a: {  	[sflag:s12] =	ssyncset.done $0x0  }
0x3b: {  	[sflag:s12] =	ssyncadd.s32 $0xFFFFFF80  }
0x3c: {  	[tilespmem:s14], [sflag:$0x1] =	stream.indirect.gather [hbm4b:s4+s13], $0x80, s3, s13, $0xb8;
	[tilespmem:$0x18100] =	vst v63  }
0x3d: {  	_ =	swait.ge [sflag:s15], $0x4000  }
0x3e: {  	[sflag:s15] =	ssyncset.done $0x0  }
0x3f: {  	[sflag:s15] =	ssyncadd.s32 $0xFFFFC000  }
0x40: {  	[spmem:s2] =	stream.indirect.scatter.add.f32 [tilespmem:s14], [sflag:$0x2], $0x80, s13, s13, $0xb8;
	[tilespmem:$0x18100] =	vst v63  }
0x41: {  	_ =	swait.ge [sflag:s12], $0x4000  }
0x42: {  	s16 =	sadd.s32 $0x1, s16;
	[sflag:s12] =	ssyncset.done $0x0  }
0x43: {  	p0 =	sne.s32 s16, s8;
	[sflag:s12] =	ssyncadd.s32 $0xFFFFC000  }
.Ltmp1:
0x44: {  	[bflag:$0x0] =	sbarrier.arrive $0xFFFF;
	(pc) =	sbr.rel @p0 .LBB2_1-.Ltmp1, $4  }
0x45: {  	[hbm:s7], [sflag:s6] =	dma.local [spmem:s11], $0x2800  }
0x46: {  	_ =	swait.ge [sflag:s12], $0x2800  }
0x47: {  	[sflag:s12] =	ssyncset.done $0x0  }
0x48: {  	[sflag:s12] =	ssyncadd.s32 $0xFFFFD800  }
0x49: {  	_ =	sfence.sel $0x180000  }
0x4a: {  	[bflag:$0x0] =	sbarrier.arrive $0xFFFF  }
0x4b: {  	p0 =	sne.s32 s1, $0x0;
	_ =	strace $0x9000004D  }
0x4c: {  	s0 =	sadd.s32 @!p0 $0x100000, s0;
	[bflag:$0x2] =	sbarrier.arrive $0xFFFF  }
0x4d: {  	[sflag:s0] =	ssyncadd.tile.s32 @!p0 $0x1;
	_ =	shalt  }
.Lfunc_end2:
_tile_overlayer_lowered:
.L_overlay_start_2:
0x4e: {  	(tag) =	ssettag $0x2  }
0x4f: {  	s0 =	rddreg [dreg:$0x0];
	s2 =	stileid.u32  }
0x50: {  	s1 =	rddreg [dreg:$0x1];
	p0 =	sne.s32 s2, $0x0  }
0x51: {  	s3 =	rddreg [dreg:$0x2];
	[bflag:$0x3] =	sbarrier.arrive $0xFFFF;
	s2 =	simm.s32 @!p0 $0x1C02  }
0x52: {  	[timem:s3], [sflag:s2] =	dma.local @!p0 [hbm:s0], s1  }
0x53: {  	s0 =	simm.s32 @!p0 $0x2  }
0x54: {  	_ =	swait.ge @!p0 [sflag:s0], s1  }
0x55: {  	s1 =	ssub.s32 @!p0 $0x0, s1;
	[sflag:s0] =	ssyncset.done @!p0 $0x0  }
0x56: {  	[sflag:s0] =	ssyncadd.s32 @!p0 s1  }
0x57: {  	[bflag:$0x3] =	sbarrier.arrive $0xFFFF  }
0x58: {  	_ =	shalt  }

// kernel: kernel.8.cloned.1.call-start
scs
__scs_entry_jumppad:
0x0: {  	(pc) =	sbr.rel $0x88, $3  }
0x1: {  	(tag) =	ssettag $0x0;
	lr =	simm.s32 $0x1  }
0x2: {  	[smem:$0x3F90] =	sst lr;
	_ =	strace $0xD0000000  }
0x3: {  	_ = 	snop  }
0x4: {  	_ = 	snop  }
0x5: {  	_ = 	snop  }
0x6: {  	_ = 	snop  }
0x7: {  	_ = 	snop  }
__scs_overlays_trampoline_lowered:
0x8: {  	[smem:$0x3F9F] =	sst s0  }
0x9: {  	[smem:$0x3FA0] =	sst s1  }
0xa: {  	[smem:$0x3FA1] =	sst s2  }
0xb: {  	[smem:$0x3FA2] =	sst s3  }
0xc: {  	[smem:$0x3FA3] =	sst s4  }
0xd: {  	[smem:$0x3FA4] =	sst s5  }
0xe: {  	[smem:$0x3FA5] =	sst s6  }
0xf: {  	[smem:$0x3FA6] =	sst s7  }
0x10: {  	[smem:$0x3FA7] =	sst s8  }
0x11: {  	[smem:$0x3FA8] =	sst s9;
	s0 =	simm.s32 @!p0 $0x0  }
0x12: {  	s1 =	sld [smem:$0x3F8E];
	s0 =	simm.s32 @p0 $0x1  }
0x13: {  	[smem:$0x3FA9] =	sst s0;
	s0 =	simm.s32 @!p1 $0x0  }
0x14: {  	s2 =	sld [smem:$0x3F8D];
	s0 =	simm.s32 @p1 $0x1  }
0x15: {  	[smem:$0x3FAA] =	sst s0;
	s0 =	simm.s32 @!p2 $0x0  }
0x16: {  	s3 =	sld [smem:$0x3FDB];
	s0 =	simm.s32 @p2 $0x1  }
0x17: {  	s4 =	simm.s32 $0x1BF5;
	[smem:$0x3FAC] =	sst s0  }
0x18: {  	s0 =	sld [smem:$0x3F8F];
	_ =	swait.ge [sflag:s4], $0x0  }
0x19: {  	s7 =	sld [smem:$0x3F90]  }
0x1a: {  	s8 =	sadd.s32 $0xFFFFE003, lr  }
0x1b: {  	s9 =	sadd.s32 $0xFFFFFEF7, lr;
	s5 =	simm.s32 $0xFFFFFFFF;
	p2 =	slt.u32 s8, $0xFFFFF086  }
0x1c: {  	p1 =	slt.u32 s9, $0xF7A;
	s5 =	simm.s32 @!p2 $0x0  }
0x1d: {  	s5 =	simm.s32 @p1 $0x1;
	p0 =	seq.s32 s7, s2  }
0x1e: {  	s7 =	smul.u32 @!p0 $0xF7A, s2;
	p2 =	seq.s32 @!p0 s5, $0x0  }
0x1f: {  	s9 =	smul.u32 $0xF7A, s1;
	s8 =	simm.s32 @!p0 $0x1BF5;
	p2 =	por !p2, p0  }
0x20: {  	[sflag:s8] =	ssyncset.s32 @!p0 $0xFFFFF086;
	s6 =	sadd.s32 @!p0 s3, s7;
	s7 =	simm.s32 @!p0 $0x108  }
0x21: {  	s3 =	sadd.s32 s3, s9;
	s6 =	sadd.s32 @!p0 $0x88, s6;
	s7 =	simm.s32 @p2 $0x1082  }
0x22: {  	[simem:s7], [sflag:s8] =	dma.local @!p0 [hbm:s6], $0xF7A  }
0x23: {  	s9 =	sor.u32 $0xD0000000, s2;
	s6 =	simm.s32 $0x108;
	_ =	swait.ge @!p0 [sflag:s8], $0x0  }
0x24: {  	s3 =	sadd.s32 $0x88, s3;
	s6 =	simm.s32 @!p1 $0x1082;
	[sflag:s4] =	ssyncset.s32 $0xFFFFF086  }
0x25: {  	[simem:s6], [sflag:s4] =	dma.local [hbm:s3], $0xF7A  }
0x26: {  	[smem:$0x3F90] =	sst s1;
	(tag) =	ssettag s2;
	_ =	strace s9  }
0x27: {  	s1 =	sld [smem:$0x3FA0]  }
0x28: {  	s2 =	sld [smem:$0x3FA1]  }
0x29: {  	s4 =	sld [smem:$0x3FA3]  }
0x2a: {  	p0 =	seq.s32 s5, $0x0;
	s5 =	sld [smem:$0x3FA4]  }
0x2b: {  	s6 =	sld [smem:$0x3FA5]  }
0x2c: {  	s7 =	sld [smem:$0x3FA6]  }
0x2d: {  	s3 =	simm.s32 $0x108;
	s8 =	sld [smem:$0x3FA7]  }
0x2e: {  	s3 =	simm.s32 @!p0 $0x1082;
	s9 =	sld [smem:$0x3FA8]  }
0x2f: {  	lr =	sadd.s32 s0, s3;
	s0 =	sld [smem:$0x3F9F]  }
0x30: {  	s3 =	sld [smem:$0x3FA2]  }
0x31: {  	[smem:$0x3FAB] =	sst s10  }
0x32: {  	s10 =	sld [smem:$0x3FA9];
	_ =	sdelay $0x3  }
0x33: {  	p0 =	seq.s32 s10, $0x1;
	s10 =	sld [smem:$0x3FAB];
	_ =	sdelay $0x3  }
0x34: {  	[smem:$0x3FAB] =	sst s10  }
0x35: {  	s10 =	sld [smem:$0x3FAA];
	_ =	sdelay $0x3  }
0x36: {  	p1 =	seq.s32 s10, $0x1;
	s10 =	sld [smem:$0x3FAB];
	_ =	sdelay $0x3  }
0x37: {  	[smem:$0x3FAB] =	sst s10  }
0x38: {  	s10 =	sld [smem:$0x3FAC]  }
0x39: {  	_ = 	snop;
	(pc) =	sbr.ind lr, $3  }
0x3a: {  	_ = 	snop  }
0x3b: {  	_ = 	snop  }
0x3c: {  	p2 =	seq.s32 s10, $0x1;
	s10 =	sld [smem:$0x3FAB]  }
0x3d: {  	_ =	shalt  }
0x3e: {  	_ =	shalt  }
0x3f: {  	_ =	shalt  }
0x40: {  	_ =	shalt  }
0x41: {  	_ =	shalt  }
0x42: {  	_ =	shalt  }
0x43: {  	_ =	shalt  }
0x44: {  	_ =	shalt  }
0x45: {  	_ =	shalt  }
0x46: {  	_ =	shalt  }
0x47: {  	_ =	shalt  }
0x48: {  	_ =	shalt  }
0x49: {  	_ =	shalt  }
0x4a: {  	_ =	shalt  }
0x4b: {  	_ =	shalt  }
0x4c: {  	_ =	shalt  }
0x4d: {  	_ =	shalt  }
0x4e: {  	_ =	shalt  }
0x4f: {  	_ =	shalt  }
0x50: {  	_ =	shalt  }
0x51: {  	_ =	shalt  }
0x52: {  	_ =	shalt  }
0x53: {  	_ =	shalt  }
0x54: {  	_ =	shalt  }
0x55: {  	_ =	shalt  }
0x56: {  	_ =	shalt  }
0x57: {  	_ =	shalt  }
0x58: {  	_ =	shalt  }
0x59: {  	_ =	shalt  }
0x5a: {  	_ =	shalt  }
0x5b: {  	_ =	shalt  }
0x5c: {  	_ =	shalt  }
0x5d: {  	_ =	shalt  }
0x5e: {  	_ =	shalt  }
0x5f: {  	_ =	shalt  }
0x60: {  	_ =	shalt  }
0x61: {  	_ =	shalt  }
0x62: {  	_ =	shalt  }
0x63: {  	_ =	shalt  }
0x64: {  	_ =	shalt  }
0x65: {  	_ =	shalt  }
0x66: {  	_ =	shalt  }
0x67: {  	_ =	shalt  }
0x68: {  	_ =	shalt  }
0x69: {  	_ =	shalt  }
0x6a: {  	_ =	shalt  }
0x6b: {  	_ =	shalt  }
0x6c: {  	_ =	shalt  }
0x6d: {  	_ =	shalt  }
0x6e: {  	_ =	shalt  }
0x6f: {  	_ =	shalt  }
0x70: {  	_ =	shalt  }
0x71: {  	_ =	shalt  }
0x72: {  	_ =	shalt  }
0x73: {  	_ =	shalt  }
0x74: {  	_ =	shalt  }
0x75: {  	_ =	shalt  }
0x76: {  	_ =	shalt  }
0x77: {  	_ =	shalt  }
0x78: {  	_ =	shalt  }
0x79: {  	_ =	shalt  }
0x7a: {  	_ =	shalt  }
0x7b: {  	_ =	shalt  }
0x7c: {  	_ =	shalt  }
0x7d: {  	_ =	shalt  }
0x7e: {  	_ =	shalt  }
0x7f: {  	_ =	shalt  }
0x80: {  	_ =	shalt  }
0x81: {  	_ =	shalt  }
0x82: {  	_ =	shalt  }
0x83: {  	_ =	shalt  }
0x84: {  	_ =	shalt  }
0x85: {  	_ =	shalt  }
0x86: {  	_ =	shalt  }
0x87: {  	_ =	shalt  }
.Lfunc_end0:
.L_simem_size_0:
called_computation_lowered:
.L_overlay_start_0:
0x88: {  	s2 =	sld [smem:$0x3FD9]  }
0x89: {  	s3 =	sld [smem:$0x3FFE];
	_ =	sdelay $0x1  }
0x8a: {  	s1 =	srdreg.scid  }
0x8b: {  	s0 =	sand.u32 $0x1, s1  }
0x8c: {  	s16 =	sshll.u32 s0, $0xA;
	s2 =	sadd.s32 s3, s2  }
0x8d: {  	s2 =	sadd.s32 s2, s16  }
0x8e: {  	[smem:$0x3FB7] =	sst s2  }
0x8f: {  	_ = 	snop  }
0x90: {  	(tm) =	ssettm $0x1  }
0x91: {  	s17 =	sld [smem:$0x3FFB];
	_ =	sdelay $0x3  }
0x92: {  	_ =	strace s17  }
0x93: {  	s2 =	sld [smem:$0x3FFC];
	_ =	sdelay $0x3  }
0x94: {  	_ =	strace s2  }
0x95: {  	s2 =	sld [smem:$0x3FFD];
	_ =	sdelay $0x3  }
0x96: {  	_ =	strace s2  }
0x97: {  	_ =	strace $0x8FFFFFFF  }
0x98: {  	s18 =	sld [smem:$0x3FDB];
	_ =	sdelay $0x1  }
0x99: {  	s19 =	simm.s32 $_scs_section_size  }
0x9a: {  	s4 =	simm.s32 $_size__tile_overlayer_lowered;
	s5 =	simm.s32 $_tile_overlayer_lowered  }
0x9b: {  	s22 =	simm.s32 $0x1BFF;
	s21 =	sshll.u32 s5, $0x1;
	s2 =	sadd.s32 s19, s18  }
0x9c: {  	s6 =	simm.s32 $0x0;
	s20 =	sshll.u32 s4, $0x1;
	s4 =	sadd.s32 s21, s2  }
0x9d: {  	[timem:s6], [sflag:s22] =	dma.local [hbm:s4], s20  }
0x9e: {  	_ =	swait.ge [sflag:s22], s20  }
0x9f: {  	s3 =	ssub.s32 $0x0, s20;
	[sflag:s22] =	ssyncset.done $0x0  }
0xa0: {  	[sflag:s22] =	ssyncadd.s32 s3;
	_ =	sdelay $0x1  }
0xa1: {  	s23 =	simm.s32 $0x1B8B  }
0xa2: {  	_ =	swait.ge [sflag:s23], $0x1  }
0xa3: {  	[sflag:s23] =	ssyncset.done $0x0  }
0xa4: {  	s25 =	simm.s32 $0x1B8E;
	s24 =	sld [smem:$0x3FFE];
	[sflag:s23] =	ssyncadd.s32 $0xFFFFFFFF  }
0xa5: {  	s26 =	simm.s32 $execute0_lowered;
	[smem:$0x3FD2] =	sst s25  }
0xa6: {  	s4 =	sshll.u32 s26, $0x1;
	_ =	strace $0x80000046;
	[dreg:$0x1] =	wrdreg $0xFFFFFFFF  }
0xa7: {  	s28 =	simm.s32 $_size_execute0_lowered;
	s2 =	sadd.s32 s2, s4;
	[dreg:$0x0] =	wrdreg $0x0  }
0xa8: {  	s4 =	sshll.u32 s28, $0x1;
	[dreg:$0x2] =	wrdreg s2  }
0xa9: {  	[dreg:$0x3] =	wrdreg s4  }
0xaa: {  	[dreg:$0x4] =	wrdreg $0xC0  }
0xab: {  	_ =	task [dreg:s6], $0x5FFFF  }
0xac: {  	[dreg:$0x1] =	wrdreg $0xFFFFFFFF  }
0xad: {  	[dreg:$0x0] =	wrdreg $0x60  }
0xae: {  	[dreg:$0x2] =	wrdreg s24  }
0xaf: {  	[dreg:$0x3] =	wrdreg $0x9  }
0xb0: {  	_ =	task.clear_ibuf [dreg:s6], $0x4FFFF;
	_ =	strace $0x90000046  }
0xb1: {  	s29 =	simm.s32 $0x9;
	_ =	strace $0x80000048  }
0xb2: {  	_ =	swait.ge [sflag:s29], $0x1  }
0xb3: {  	[sflag:s29] =	ssyncadd.s32 $0xFFFFFFFF  }
0xb4: {  	_ =	strace $0x90000048  }
0xb5: {  	_ =	sfence  }
0xb6: {  	s30 =	sld [smem:$0x0];
	_ =	sdelay $0x2  }
0xb7: {  	s31 =	sshll.u32 s1, $0xD;
	s1 =	sshrl.u32 s1, $0x2  }
0xb8: {  	s3 =	sand.u32 $0x4000, s31;
	s1 =	sadd.s32 s1, s30  }
0xb9: {  	s0 =	sor.u32 s3, s0;
	s1 =	sshll.u32 s1, $0x11  }
0xba: {  	s0 =	sor.u32 s1, s0  }
0xbb: {  	s0 =	sadd.s32 $0x8F2B, s0  }
0xbc: {  	[sflag:s0] =	ssyncadd.remote.s32 $0x1  }
0xbd: {  	_ =	sfence.sel $0xFFFF  }
0xbe: {  	[dreg:$0x0] =	wrdreg $0xFFFFFFFF;
	(pc) =	sbr.abs _section_cstart, $3  }
0xbf: {  	[dreg:$0x1] =	wrdreg $0xFFFFFFFF  }
0xc0: {  	_ =	task.clear_ibuf [dreg:s6], $0x2FFFF;
	_ =	strace $0x9FFFFFFF  }
0xc1: {  	(tm) =	ssettm $0x7FFFFFFF  }
tec
execute0_lowered:
.L_overlay_start_1:
0x0: {  	(tag) =	ssettag $0x1  }
0x1: {  	s0 =	srdreg.scid  }
0x2: {  	s3 =	sand.u32 $0x1, s0  }
0x3: {  	s4 =	rddreg [dreg:$0x0];
	s0 =	stileid.u32;
	s1 =	sshll.u32 s3, $0x4  }
0x4: {  	s2 =	simm.s32 $0x0;
	s8 =	simm.s32 $0x0;
	s5 =	sor.u32 s0, s1  }
0x5: {  	[smem:$0x7FF] =	sst s2;
	s3 =	ssub.s32 $0x2, s3;
	s6 =	smul.u32 $0x4F0, s5  }
0x6: {  	s1 =	rddreg [dreg:$0x1];
	s7 =	sshrl.u32 s3, $0x1;
	s5 =	smul.u32 $0x500, s5  }
0x7: {  	_ =	strace $0x80000047;
	s31 =	ssub.s32 s3, s7;
	s7 =	simm.s32 $0x2780  }
0x8: {  	s6 =	sadd.s32 s6, s4;
	s4 =	sadd.s32 s5, s4;
	s5 =	smax.u32 s31, $0x1  }
0x9: {  	v0 =	vimm.f32 $0.0e+00;
	v1 =	vimm.f32 $1.000000000e+00;
	s3 =	sadd.s32 $0x4E00, s6;
	s4 =	sadd.s32 $0xEC00, s4;
	s6 =	simm.s32 $0x1  }
.LBB2_1:
0xa: {  	s9 =	simm.s32 $0x40;
	s10 =	simm.s32 $0x0  }
.LBB2_2:
0xb: {  	p0 =	sne.s32 s9, $0x9FC0;
	[tilespmem:s10+$0x2780] =	vst v0;
	s10 =	smov.u32 s9;
	s9 =	sadd.s32 $0x40, s9  }
.Ltmp0:
0xc: {  	(pc) =	sbr.rel @p0 .LBB2_2-.Ltmp0, $2  }
0xd: {  	_ =	sdelay $0x2  }
0xe: {  	s10 =	sshra.s32 s10, $0x2  }
0xf: {  	[tilespmem:s10+$0x2780] =	vst v0;
	s9 =	simm.s32 $0x0  }
0x10: {  	[tilespmem:s9], [sflag:$0x1] =	stream.linear.gather [hbm4b:s3+s9], $0x2780, $0x38;
	[tilespmem:$0x4F80] =	vst v63  }
0x11: {  	_ =	swait.ge [sflag:s6], $0x2780  }
0x12: {  	[sflag:s6] =	ssyncset.done $0x0  }
0x13: {  	s10 =	simm.s32 $0x0;
	s9 =	simm.s32 $0x40;
	[sflag:s6] =	ssyncadd.s32 $0xFFFFD880  }
.LBB2_4:
0x14: {  	p0 =	sne.s32 s9, $0x9DC0;
	v2 =	vld [tilespmem:s10+$0x0];
	_ =	sdelay $0x3  }
.Ltmp1:
0x15: {  	(pc) =	sbr.rel @p0 .LBB2_4-.Ltmp1, $2  }
0x16: {  	_ =	sdelay $0x2  }
0x17: {  	s10 =	sshra.s32 s9, $0x2;
	s9 =	sadd.s32 $0x40, s9;
	[tilespmem:v2+s7+$0x0] =	vst.idx.add.f32.msk $0xffff, v1  }
0x18: {  	v2 =	vld [tilespmem:s10+$0x0];
	_ =	sdelay $0x5  }
0x19: {  	s8 =	sadd.s32 $0x1, s8  }
0x1a: {  	p0 =	sne.s32 s8, s5  }
.Ltmp2:
0x1b: {  	[tilespmem:v2+s7+$0x0] =	vst.idx.add.f32.msk $0xffff, v1;
	(pc) =	sbr.rel @p0 .LBB2_1-.Ltmp2, $4  }
0x1c: {  	[hbm4b:s4+s2] =	stream.linear.scatter [tilespmem:s7], [sflag:$0x1], $0x2800, $0x38;
	[tilespmem:$0x4F80] =	vst v63  }
0x1d: {  	_ =	swait.ge [sflag:s6], $0x2800  }
0x1e: {  	[sflag:s6] =	ssyncset.done $0x0  }
0x1f: {  	[sflag:s6] =	ssyncadd.s32 $0xFFFFD800  }
0x20: {  	_ =	sfence.sel $0x180000  }
0x21: {  	[bflag:$0x0] =	sbarrier.arrive $0xFFFF  }
0x22: {  	p0 =	sne.s32 s0, $0x0;
	_ =	strace $0x90000047  }
0x23: {  	s0 =	sadd.s32 @!p0 $0x100000, s1;
	[bflag:$0x2] =	sbarrier.arrive $0xFFFF  }
0x24: {  	[sflag:s0] =	ssyncadd.tile.s32 @!p0 $0x1;
	_ =	shalt  }
.Lfunc_end2:
_tile_overlayer_lowered:
.L_overlay_start_2:
0x25: {  	(tag) =	ssettag $0x2  }
0x26: {  	s0 =	rddreg [dreg:$0x0];
	s2 =	stileid.u32  }
0x27: {  	s1 =	rddreg [dreg:$0x1];
	p0 =	sne.s32 s2, $0x0  }
0x28: {  	s3 =	rddreg [dreg:$0x2];
	[bflag:$0x3] =	sbarrier.arrive $0xFFFF;
	s2 =	simm.s32 @!p0 $0x1C01  }
0x29: {  	[timem:s3], [sflag:s2] =	dma.local @!p0 [hbm:s0], s1  }
0x2a: {  	s0 =	simm.s32 @!p0 $0x1  }
0x2b: {  	_ =	swait.ge @!p0 [sflag:s0], s1  }
0x2c: {  	s1 =	ssub.s32 @!p0 $0x0, s1;
	[sflag:s0] =	ssyncset.done @!p0 $0x0  }
0x2d: {  	[sflag:s0] =	ssyncadd.s32 @!p0 s1  }
0x2e: {  	[bflag:$0x3] =	sbarrier.arrive $0xFFFF  }
0x2f: {  	_ =	shalt  }

</sc_bundles>
